<compile_context>
chip_gen: v7x
topology: tpu7x:2x2x1
jax: 0.10.2.dev20260603
libtpu: 0.0.44.dev20260713+nightly
codegen_flags: <defaults>
</compile_context>

<pallas_src>
import functools

import jax
import jax.numpy as jnp
from jax import lax
from jax.experimental import pallas as pl
from jax.experimental.pallas import tpu as pltpu
from jax.experimental.pallas import tpu_sc as plsc

N = 10000
E = 320000
H = 128
F = 512
NORM_FACTOR = 100.0

NP = 10240
EP = 327680
TILES = 32
CPT = EP // TILES
CHUNK = 128
NCH = CPT // CHUNK
BN = 2048
BE = 2048

_F32 = jnp.float32
_BF16 = jnp.bfloat16


def _silu(x):
    return x / (1.0 + jnp.exp(-x))


def _silu_bf(x):
    xb = x.astype(_BF16)
    one = jnp.ones((), _BF16)
    return xb / (one + jnp.exp(-xb))


def _bf(x):
    return x.astype(_BF16)


def _dense_body(h_ref, x4_ref, bm_ref, hf_ref, xf4_ref, bond_ref,
                wr_ref, wc_ref, wbe_ref, b1a_ref,
                w1fh_ref, w1fb_ref, wrad_ref, b1f_ref, w2f_ref, b2f_ref,
                w3f_ref,
                pr_ref, pc_ref, tbe_ref, part_ref):
    h = h_ref[...]
    hb = _bf(h)
    pr_ref[...] = jnp.dot(hb, _bf(wr_ref[...]), preferred_element_type=_F32)
    pc_ref[...] = jnp.dot(hb, _bf(wc_ref[...]), preferred_element_type=_F32)

    bm = bm_ref[...]
    bmh = jnp.dot(_bf(bm), _bf(hf_ref[...]), preferred_element_type=_F32)
    mx = jnp.dot(bm, xf4_ref[...], preferred_element_type=_F32)
    x4 = x4_ref[...]
    cdf = x4 - mx
    radial = jnp.sum(cdf * cdf, axis=1, keepdims=True)
    norm = jnp.sqrt(radial + 1e-8)
    cdfn = cdf / (norm + 1.0)

    z1 = (jnp.dot(hb, _bf(w1fh_ref[...]), preferred_element_type=_F32)
          + jnp.dot(_bf(bmh), _bf(w1fb_ref[...]), preferred_element_type=_F32)
          + radial * wrad_ref[0:1, :] + b1f_ref[0:1, :])
    h1 = _silu(z1)
    h2 = _silu(jnp.dot(_bf(h1), _bf(w2f_ref[...]), preferred_element_type=_F32)
               + b2f_ref[0:1, :])
    sf = jnp.sum(h2 * w3f_ref[0:1, :], axis=1, keepdims=True)
    part_ref[...] = x4 + cdfn * sf

    @pl.when(pl.program_id(0) == 0)
    def _():
        tbe_ref[...] = (jnp.dot(_bf(bond_ref[...]), _bf(wbe_ref[...]),
                                preferred_element_type=_F32)
                        + b1a_ref[0:1, :])


def _dense_call(h_p, x4, bm_p, h_f, xf4, bond_p, Wr, Wc, Wbe, b1a2,
                W1fh, W1fb, wrad, b1f2, W2f, b2f2, w3f2):
    nblk = NP // BN
    full = lambda s: pl.BlockSpec(s, lambda i: tuple(0 for _ in s))
    return pl.pallas_call(
        _dense_body,
        grid=(nblk,),
        in_specs=[
            pl.BlockSpec((BN, H), lambda i: (i, 0)),
            pl.BlockSpec((BN, 4), lambda i: (i, 0)),
            pl.BlockSpec((BN, F), lambda i: (i, 0)),
            full((F, H)),
            full((F, 4)),
            full((128, H)),
            full((H, H)), full((H, H)), full((H, H)),
            full((8, H)),
            full((H, H)), full((H, H)),
            full((8, H)), full((8, H)),
            full((H, H)), full((8, H)), full((8, H)),
        ],
        out_specs=[
            pl.BlockSpec((BN, H), lambda i: (i, 0)),
            pl.BlockSpec((BN, H), lambda i: (i, 0)),
            pl.BlockSpec((128, H), lambda i: (0, 0)),
            pl.BlockSpec((BN, 4), lambda i: (i, 0)),
        ],
        out_shape=[
            jax.ShapeDtypeStruct((NP, H), _F32),
            jax.ShapeDtypeStruct((NP, H), _F32),
            jax.ShapeDtypeStruct((128, H), _F32),
            jax.ShapeDtypeStruct((NP, 4), _F32),
        ],
    )(h_p, x4, bm_p, h_f, xf4, bond_p, Wr, Wc, Wbe, b1a2,
      W1fh, W1fb, wrad, b1f2, W2f, b2f2, w3f2)


def _sc_gather(prow, pcol, row_sc, col_sc):
    mesh = plsc.VectorSubcoreMesh(core_axis_name="c", subcore_axis_name="s")

    @functools.partial(
        pl.kernel, mesh=mesh,
        out_type=[jax.ShapeDtypeStruct((EP, H), _F32),
                  jax.ShapeDtypeStruct((EP, H), _F32)],
        scratch_types=[
            pltpu.VMEM((NCH, CHUNK), jnp.int32),
            pltpu.VMEM((NCH, CHUNK), jnp.int32),
            pltpu.VMEM((CHUNK, H), _F32),
            pltpu.VMEM((CHUNK, H), _F32),
            pltpu.SemaphoreType.DMA,
            pltpu.SemaphoreType.DMA,
        ],
    )
    def gather_k(pr_hbm, pc_hbm, ri_hbm, ci_hbm, gr_hbm, gc_hbm,
                 ir_v, ic_v, bufr, bufc, semr, semc):
        wid = lax.axis_index("s") * 2 + lax.axis_index("c")
        base = wid * CPT
        pltpu.async_copy(ri_hbm.at[wid], ir_v, semr).wait()
        pltpu.async_copy(ci_hbm.at[wid], ic_v, semc).wait()

        @pl.loop(0, NCH)
        def _(j):
            cr = pltpu.async_copy(pr_hbm.at[ir_v.at[j]], bufr, semr)
            cc = pltpu.async_copy(pc_hbm.at[ic_v.at[j]], bufc, semc)
            cr.wait()
            pltpu.async_copy(
                bufr, gr_hbm.at[pl.ds(base + j * CHUNK, CHUNK)], semr).wait()
            cc.wait()
            pltpu.async_copy(
                bufc, gc_hbm.at[pl.ds(base + j * CHUNK, CHUNK)], semc).wait()

    return gather_k(prow, pcol, row_sc, col_sc)


def _edge_body(gr_ref, gc_ref, ty_ref, at_ref, cd_ref,
               tbe_ref, wat_ref, w2a_ref, b2a_ref, w3a_ref, t_ref):
    z = gr_ref[...] + gc_ref[...]
    ids = lax.broadcasted_iota(jnp.int32, (BE, H), 1)
    oh = _bf(ty_ref[...] == ids)
    zbe = jnp.dot(oh, _bf(tbe_ref[...]), preferred_element_type=_F32)
    at = at_ref[...]
    z = z + zbe + at[:, 0:1] * wat_ref[0:1, :] + at[:, 1:2] * wat_ref[1:2, :]
    h1 = _silu(z)
    h2 = _silu(jnp.dot(_bf(h1), _bf(w2a_ref[...]), preferred_element_type=_F32)
               + b2a_ref[0:1, :])
    s = jnp.sum(h2 * w3a_ref[0:1, :], axis=1, keepdims=True)
    t_ref[...] = cd_ref[...] * s


def _edge_call(grow, gcol, ty2, attr_p, cd4, tbe, Wat, W2a, b2a2, w3a2):
    nblk = EP // BE
    full = lambda s: pl.BlockSpec(s, lambda i: tuple(0 for _ in s))
    return pl.pallas_call(
        _edge_body,
        grid=(nblk,),
        in_specs=[
            pl.BlockSpec((BE, H), lambda i: (i, 0)),
            pl.BlockSpec((BE, H), lambda i: (i, 0)),
            pl.BlockSpec((BE, 1), lambda i: (i, 0)),
            pl.BlockSpec((BE, 2), lambda i: (i, 0)),
            pl.BlockSpec((BE, 4), lambda i: (i, 0)),
            full((128, H)), full((8, H)), full((H, H)),
            full((8, H)), full((8, H)),
        ],
        out_specs=pl.BlockSpec((BE, 4), lambda i: (i, 0)),
        out_shape=jax.ShapeDtypeStruct((EP, 4), _F32),
    )(grow, gcol, ty2, attr_p, cd4, tbe, Wat, W2a, b2a2, w3a2)


def _sc_scatter(t_r, row_sc2):
    mesh = plsc.VectorSubcoreMesh(core_axis_name="c", subcore_axis_name="s")
    npass = 4
    gp = CPT // 16 // npass
    accr = NP * 4 // 128

    @functools.partial(
        pl.kernel, mesh=mesh,
        compiler_params=pltpu.CompilerParams(needs_layout_passes=False),
        out_type=jax.ShapeDtypeStruct((TILES, accr, 128), _F32),
        scratch_types=[
            pltpu.VMEM((gp * 16 // 128, 128), jnp.int32),
            pltpu.VMEM((gp * 64 // 128, 128), _F32),
            pltpu.VMEM((accr, 128), _F32),
            pltpu.SemaphoreType.DMA,
        ],
    )
    def scatter_k(t_hbm, ri_hbm, acc_hbm, idx_v, t_v, acc_v, sem):
        wid = lax.axis_index("s") * 2 + lax.axis_index("c")

        zeros = jnp.zeros((16,), _F32)

        @pl.loop(0, accr)
        def _(r):
            @pl.loop(0, 8)
            def _(i):
                acc_v[r, pl.ds(i * 16, 16)] = zeros

        lane4 = lax.iota(jnp.int32, 16) * 4

        @pl.loop(0, npass)
        def _(p):
            pltpu.async_copy(t_hbm.at[wid * npass + p], t_v, sem).wait()
            pltpu.async_copy(ri_hbm.at[wid * npass + p], idx_v, sem).wait()

            @pl.loop(0, gp)
            def _(k):
                r = lax.shift_right_logical(k, 3)
                o = lax.shift_left(jnp.bitwise_and(k, 7), 4)
                idxn = idx_v[r, pl.ds(o, 16)]
                idx4 = lax.shift_left(idxn, 2)
                for c in range(3):
                    w = lane4 + (k * 64 + c)
                    vals = plsc.load_gather(
                        t_v, [lax.shift_right_logical(w, 7),
                              jnp.bitwise_and(w, 127)])
                    idxf = idx4 + c
                    plsc.addupdate_scatter(
                        acc_v, [lax.shift_right_logical(idxf, 7),
                                jnp.bitwise_and(idxf, 127)], vals)

        pltpu.async_copy(acc_v, acc_hbm.at[wid], sem).wait()

    return scatter_k(t_r, row_sc2)


def _final_body(acc_ref, part_ref, out_ref):
    agg = jnp.sum(acc_ref[...], axis=0) * (1.0 / NORM_FACTOR)
    out_ref[...] = part_ref[...] + agg


def _final_call(acc_r, part_r):
    return pl.pallas_call(
        _final_body,
        out_shape=jax.ShapeDtypeStruct((8, NP * 4 // 8), _F32),
    )(acc_r, part_r)


def kernel(h_a, x_a, e_a_idx, e_a_type, e_a_attr, coord_diff_a, h_f, x_f,
           bm_mat, bond_emb, W1a, b1a, W2a, b2a, W3a,
           W1f, b1f, W2f, b2f, W3f):
    padN = NP - N
    padE = EP - E

    h_p = jnp.pad(h_a, ((0, padN), (0, 0)))
    x4 = jnp.pad(x_a, ((0, padN), (0, 1)))
    bm_p = jnp.pad(bm_mat, ((0, padN), (0, 0)))
    xf4 = jnp.pad(x_f, ((0, 0), (0, 1)))
    bond_p = jnp.pad(bond_emb, ((0, 28), (0, 0)))

    row = e_a_idx[0]
    col = e_a_idx[1]
    ipad = jnp.full((padE,), N, jnp.int32)
    row_p = jnp.concatenate([row, ipad])
    col_p = jnp.concatenate([col, ipad])
    ty2 = jnp.pad(e_a_type, (0, padE)).reshape(EP, 1)
    attr_p = jnp.pad(e_a_attr, ((0, padE), (0, 0)))
    cd4 = jnp.pad(coord_diff_a, ((0, padE), (0, 1)))

    pad8 = lambda v: jnp.pad(v.reshape(1, H), ((0, 7), (0, 0)))
    Wr = W1a[0:H]
    Wc = W1a[H:2 * H]
    Wat = jnp.pad(W1a[2 * H:2 * H + 2], ((0, 6), (0, 0)))
    Wbe = W1a[2 * H + 2:]
    b1a2 = pad8(b1a)
    b2a2 = pad8(b2a)
    w3a2 = pad8(W3a.reshape(H))
    W1fh = W1f[0:H]
    W1fb = W1f[H:2 * H]
    wrad = pad8(W1f[2 * H] + W1f[2 * H + 1])
    b1f2 = pad8(b1f)
    b2f2 = pad8(b2f)
    w3f2 = pad8(W3f.reshape(H))

    prow, pcol, tbe, part = _dense_call(
        h_p, x4, bm_p, h_f, xf4, bond_p, Wr, Wc, Wbe, b1a2,
        W1fh, W1fb, wrad, b1f2, W2f, b2f2, w3f2)

    row_sc = row_p.reshape(TILES, NCH, CHUNK)
    col_sc = col_p.reshape(TILES, NCH, CHUNK)
    grow, gcol = _sc_gather(prow, pcol, row_sc, col_sc)

    t4 = _edge_call(grow, gcol, ty2, attr_p, cd4, tbe, Wat, W2a, b2a2, w3a2)

    t_r = t4.reshape(TILES * 4, CPT // 128, 128)
    row_sc2 = row_p.reshape(TILES * 4, CPT // 4 // 128, 128)
    acc = _sc_scatter(t_r, row_sc2)

    acc_r = acc.reshape(TILES, 8, NP * 4 // 8)
    part_r = part.reshape(8, NP * 4 // 8)
    out = _final_call(acc_r, part_r)

    return out.reshape(NP, 4)[:N, :3]

# --- scband reference (transcript-rebuilt; emitter-appended) ---
"""Pipeline reference for scband-equivariant-update-45973329936455 (READ-ONLY COPY).

The authoritative reference and input builder live on the scoring server;
editing this copy changes nothing except your own understanding.
"""

import jax, jax.numpy as jnp
import numpy as np

N = 10000
E = 320000
H = 128
F = 512
EDGES_IN_D = 2
NORM_FACTOR = 100.0


def _mlp(x, W1, b1, W2, b2, W3):
    x = jax.nn.silu(x @ W1 + b1)
    x = jax.nn.silu(x @ W2 + b2)
    return x @ W3


def setup_inputs(seed: int = 0) -> dict:
    key = jax.random.key(seed)
    ks = jax.random.split(key, 20)
    d_in_atom = 3 * H + EDGES_IN_D
    d_in_frag = 2 * H + EDGES_IN_D
    inp = {
        "h_a": jax.random.normal(ks[0], (N, H), dtype=jnp.float32),
        "x_a": jax.random.normal(ks[1], (N, 3), dtype=jnp.float32),
        "e_a_idx": jax.random.randint(ks[2], (2, E), 0, N, dtype=jnp.int32),
        "e_a_type": jax.random.randint(ks[3], (E,), 0, 100, dtype=jnp.int32),
        "e_a_attr": jax.random.normal(ks[4], (E, EDGES_IN_D), dtype=jnp.float32),
        "coord_diff_a": jax.random.normal(ks[5], (E, 3), dtype=jnp.float32),
        "h_f": jax.random.normal(ks[6], (F, H), dtype=jnp.float32),
        "x_f": jax.random.normal(ks[7], (F, 3), dtype=jnp.float32),
        "bm_mat": jax.random.uniform(ks[8], (N, F), dtype=jnp.float32),
        "bond_emb": jax.random.normal(ks[9], (100, H), dtype=jnp.float32) * 0.02,
        "W1a": jax.random.normal(ks[10], (d_in_atom, H), dtype=jnp.float32) / np.sqrt(d_in_atom),
        "b1a": jnp.zeros((H,), dtype=jnp.float32),
        "W2a": jax.random.normal(ks[11], (H, H), dtype=jnp.float32) / np.sqrt(H),
        "b2a": jnp.zeros((H,), dtype=jnp.float32),
        "W3a": jax.random.normal(ks[12], (H, 1), dtype=jnp.float32) * 0.001,
        "W1f": jax.random.normal(ks[13], (d_in_frag, H), dtype=jnp.float32) / np.sqrt(d_in_frag),
        "b1f": jnp.zeros((H,), dtype=jnp.float32),
        "W2f": jax.random.normal(ks[14], (H, H), dtype=jnp.float32) / np.sqrt(H),
        "b2f": jnp.zeros((H,), dtype=jnp.float32),
        "W3f": jax.random.normal(ks[15], (H, 1), dtype=jnp.float32) * 0.001,
    }
    return inp


def reference(h_a, x_a, e_a_idx, e_a_type, e_a_attr, coord_diff_a, h_f, x_f, bm_mat,
              bond_emb, W1a, b1a, W2a, b2a, W3a, W1f, b1f, W2f, b2f, W3f):
    row = e_a_idx[0]
    col = e_a_idx[1]
    be = jnp.take(bond_emb, e_a_type, axis=0)
    coord_diff_f = x_a - bm_mat @ x_f
    radial_f = jnp.sum(coord_diff_f ** 2, axis=1, keepdims=True)
    norm_f = jnp.sqrt(radial_f + 1e-08)
    coord_diff_f = coord_diff_f / (norm_f + 1.0)
    input_tensor_atom = jnp.concatenate([jnp.take(h_a, row, axis=0), jnp.take(h_a, col, axis=0), e_a_attr, be], axis=1)
    input_tensor_frag = jnp.concatenate([h_a, bm_mat @ h_f, jnp.concatenate([radial_f, radial_f], axis=1)], axis=1)
    trans_atom = coord_diff_a * _mlp(input_tensor_atom, W1a, b1a, W2a, b2a, W3a)
    trans_frag = coord_diff_f * _mlp(input_tensor_frag, W1f, b1f, W2f, b2f, W3f)
    agg_atom = jax.ops.segment_sum(trans_atom, row, num_segments=N) / NORM_FACTOR
    coord = x_a + agg_atom + trans_frag
    return coord

if __name__ == "__main__":
    import jax
    _d = setup_inputs()
    print(jax.jit(kernel)(*tuple(_d.values())))

</pallas_src>

<mosaic_0001>
#map = affine_map<(d0, d1) -> (0, 0, 0)>
module attributes {stable_mosaic.version = 14 : i64} {
  func.func @scatter_k(%arg0: i32, %arg1: i32, %arg2: memref<128x80x128xf32, #tpu.memory_space<hbm>>, %arg3: memref<128x20x128xi32, #tpu.memory_space<hbm>>, %arg4: memref<32x320x128xf32, #tpu.memory_space<hbm>>, %arg5: memref<20x128xi32, #tpu.memory_space<vmem>>, %arg6: memref<80x128xf32, #tpu.memory_space<vmem>>, %arg7: memref<320x128xf32, #tpu.memory_space<vmem>>, %arg8: memref<!tpu.dma_semaphore, #tpu.memory_space<semaphore_mem>>) attributes {dimension_semantics = [#tpu.dimension_semantics<core_parallel>, #tpu.dimension_semantics<subcore_parallel>], iteration_bounds = array<i64: 2, 16>, scalar_prefetch = 0 : i64, scratch_operands = 4 : i64, tpu.core_type = #tpu.core_type<sc_vector_subcore>, window_params = [{transform_indices = #map}, {transform_indices = #map}, {transform_indices = #map}]} {
    %mul3A = arith.constant 2 : i32
    %mul3A_0 = arith.muli %arg1, %mul3A : i32
    %add3A = arith.addi %mul3A_0, %arg0 : i32
    %broadcast_in_dim3A = arith.constant 0.000000e+00 : f32
    %broadcast_in_dim3A_1 = vector.broadcast %broadcast_in_dim3A : f32 to vector<16xf32>
    %scan3A = arith.constant 0 : i32
    %scan3A_2 = arith.constant 320 : i32
    %scan3A_3 = arith.addi %scan3A, %scan3A_2 : i32
    %scan3A_4 = arith.constant 1 : i32
    scf.for %scan3A_28 = %scan3A to %scan3A_3 step %scan3A_4  : i32 {
      %mul3A_29 = arith.constant 1 : i32
      %mul3A_30 = arith.muli %scan3A_28, %mul3A_29 : i32
      %add3A_31 = arith.constant 0 : i32
      %add3A_32 = arith.addi %add3A_31, %mul3A_30 : i32
      %scan3A_33 = arith.constant 0 : i32
      %scan3A_34 = arith.constant 8 : i32
      %scan3A_35 = arith.addi %scan3A_33, %scan3A_34 : i32
      %scan3A_36 = arith.constant 1 : i32
      scf.for %scan3A_38 = %scan3A_33 to %scan3A_35 step %scan3A_36  : i32 {
        %mul3A_39 = arith.constant 1 : i32
        %mul3A_40 = arith.muli %scan3A_38, %mul3A_39 : i32
        %add3A_41 = arith.constant 0 : i32
        %add3A_42 = arith.addi %add3A_41, %mul3A_40 : i32
        %mul3A_43 = arith.constant 16 : i32
        %mul3A_44 = arith.muli %add3A_42, %mul3A_43 : i32
        %swap3A = arith.index_cast %add3A_32 : i32 to index
        %swap3A_45 = arith.index_cast %mul3A_44 : i32 to index
        %swap3A_46 = tpu.vector_load %arg7[%swap3A, %swap3A_45] {strides = array<i32>} : memref<320x128xf32, #tpu.memory_space<vmem>>, vector<16xf32>,
        tpu.vector_store %arg7[%swap3A, %swap3A_45], %broadcast_in_dim3A_1 {strides = array<i32>} : memref<320x128xf32, #tpu.memory_space<vmem>>, vector<16xf32>,
      }
      %scan3A_37 = arith.constant 8 : i32
    }
    %scan3A_5 = arith.constant 320 : i32
    %iota3A = tpu.iota {dimensions = array<i32: 0>} : vector<16xi32>
    %mul3A_6 = arith.constant 4 : i32
    %mul3A_7 = vector.broadcast %mul3A_6 : i32 to vector<16xi32>
    %mul3A_8 = arith.muli %iota3A, %mul3A_7 : vector<16xi32>
    %scan3A_9 = arith.constant 0 : i32
    %scan3A_10 = arith.constant 4 : i32
    %scan3A_11 = arith.addi %scan3A_9, %scan3A_10 : i32
    %scan3A_12 = arith.constant 1 : i32
    scf.for %scan3A_28 = %scan3A_9 to %scan3A_11 step %scan3A_12  : i32 {
      %mul3A_29 = arith.constant 1 : i32
      %mul3A_30 = arith.muli %scan3A_28, %mul3A_29 : i32
      %add3A_31 = arith.constant 0 : i32
      %add3A_32 = arith.addi %add3A_31, %mul3A_30 : i32
      %mul3A_33 = arith.constant 4 : i32
      %mul3A_34 = arith.muli %add3A, %mul3A_33 : i32
      %add3A_35 = arith.addi %mul3A_34, %add3A_32 : i32
      %dma_start3A_36 = arith.constant 0 : i32
      %dma_start3A_37 = arith.constant 0 : i32
      %dma_start3A_38 = tpu.memref_slice %arg2[%add3A_35, %dma_start3A_36, %dma_start3A_37] : memref<128x80x128xf32, #tpu.memory_space<hbm>> -> memref<1x80x128xf32, #tpu.memory_space<hbm>>
      %dma_start3A_39 = tpu.memref_squeeze %dma_start3A_38 : memref<1x80x128xf32, #tpu.memory_space<hbm>> -> memref<80x128xf32, #tpu.memory_space<hbm>>
      %dma_start3A_40 = arith.constant 0 : i32
      %dma_start3A_41 = arith.constant 0 : i32
      %dma_start3A_42 = tpu.memref_slice %arg2[%add3A_35, %dma_start3A_40, %dma_start3A_41] : memref<128x80x128xf32, #tpu.memory_space<hbm>> -> memref<1x80x128xf32, #tpu.memory_space<hbm>>
      %dma_start3A_43 = tpu.memref_squeeze %dma_start3A_42 : memref<1x80x128xf32, #tpu.memory_space<hbm>> -> memref<80x128xf32, #tpu.memory_space<hbm>>
      tpu.enqueue_dma source(%dma_start3A_43 : memref<80x128xf32, #tpu.memory_space<hbm>>) target(%arg6 : memref<80x128xf32, #tpu.memory_space<vmem>>) target_semaphore(%arg8 : memref<!tpu.dma_semaphore, #tpu.memory_space<semaphore_mem>>)
      %dma_wait3A_44 = arith.constant 0 : i32
      %dma_wait3A_45 = arith.constant 0 : i32
      %dma_wait3A_46 = tpu.memref_slice %arg2[%add3A_35, %dma_wait3A_44, %dma_wait3A_45] : memref<128x80x128xf32, #tpu.memory_space<hbm>> -> memref<1x80x128xf32, #tpu.memory_space<hbm>>
      %dma_wait3A_47 = tpu.memref_squeeze %dma_wait3A_46 : memref<1x80x128xf32, #tpu.memory_space<hbm>> -> memref<80x128xf32, #tpu.memory_space<hbm>>
      %dma_wait3A_48 = arith.constant 0 : i32
      %dma_wait3A_49 = arith.constant 0 : i32
      %dma_wait3A_50 = tpu.memref_slice %arg2[%add3A_35, %dma_wait3A_48, %dma_wait3A_49] : memref<128x80x128xf32, #tpu.memory_space<hbm>> -> memref<1x80x128xf32, #tpu.memory_space<hbm>>
      %dma_wait3A_51 = tpu.memref_squeeze %dma_wait3A_50 : memref<1x80x128xf32, #tpu.memory_space<hbm>> -> memref<80x128xf32, #tpu.memory_space<hbm>>
      tpu.wait_dma2 semaphore(%arg8 : memref<!tpu.dma_semaphore, #tpu.memory_space<semaphore_mem>>) src(%dma_wait3A_51 : memref<80x128xf32, #tpu.memory_space<hbm>>) dst(%arg6 : memref<80x128xf32, #tpu.memory_space<vmem>>)
      %mul3A_52 = arith.constant 4 : i32
      %mul3A_53 = arith.muli %add3A, %mul3A_52 : i32
      %add3A_54 = arith.addi %mul3A_53, %add3A_32 : i32
      %dma_start3A_55 = arith.constant 0 : i32
      %dma_start3A_56 = arith.constant 0 : i32
      %dma_start3A_57 = tpu.memref_slice %arg3[%add3A_54, %dma_start3A_55, %dma_start3A_56] : memref<128x20x128xi32, #tpu.memory_space<hbm>> -> memref<1x20x128xi32, #tpu.memory_space<hbm>>
      %dma_start3A_58 = tpu.memref_squeeze %dma_start3A_57 : memref<1x20x128xi32, #tpu.memory_space<hbm>> -> memref<20x128xi32, #tpu.memory_space<hbm>>
      %dma_start3A_59 = arith.constant 0 : i32
      %dma_start3A_60 = arith.constant 0 : i32
      %dma_start3A_61 = tpu.memref_slice %arg3[%add3A_54, %dma_start3A_59, %dma_start3A_60] : memref<128x20x128xi32, #tpu.memory_space<hbm>> -> memref<1x20x128xi32, #tpu.memory_space<hbm>>
      %dma_start3A_62 = tpu.memref_squeeze %dma_start3A_61 : memref<1x20x128xi32, #tpu.memory_space<hbm>> -> memref<20x128xi32, #tpu.memory_space<hbm>>
      tpu.enqueue_dma source(%dma_start3A_62 : memref<20x128xi32, #tpu.memory_space<hbm>>) target(%arg5 : memref<20x128xi32, #tpu.memory_space<vmem>>) target_semaphore(%arg8 : memref<!tpu.dma_semaphore, #tpu.memory_space<semaphore_mem>>)
      %dma_wait3A_63 = arith.constant 0 : i32
      %dma_wait3A_64 = arith.constant 0 : i32
      %dma_wait3A_65 = tpu.memref_slice %arg3[%add3A_54, %dma_wait3A_63, %dma_wait3A_64] : memref<128x20x128xi32, #tpu.memory_space<hbm>> -> memref<1x20x128xi32, #tpu.memory_space<hbm>>
      %dma_wait3A_66 = tpu.memref_squeeze %dma_wait3A_65 : memref<1x20x128xi32, #tpu.memory_space<hbm>> -> memref<20x128xi32, #tpu.memory_space<hbm>>
      %dma_wait3A_67 = arith.constant 0 : i32
      %dma_wait3A_68 = arith.constant 0 : i32
      %dma_wait3A_69 = tpu.memref_slice %arg3[%add3A_54, %dma_wait3A_67, %dma_wait3A_68] : memref<128x20x128xi32, #tpu.memory_space<hbm>> -> memref<1x20x128xi32, #tpu.memory_space<hbm>>
      %dma_wait3A_70 = tpu.memref_squeeze %dma_wait3A_69 : memref<1x20x128xi32, #tpu.memory_space<hbm>> -> memref<20x128xi32, #tpu.memory_space<hbm>>
      tpu.wait_dma2 semaphore(%arg8 : memref<!tpu.dma_semaphore, #tpu.memory_space<semaphore_mem>>) src(%dma_wait3A_70 : memref<20x128xi32, #tpu.memory_space<hbm>>) dst(%arg5 : memref<20x128xi32, #tpu.memory_space<vmem>>)
      %scan3A_71 = arith.constant 0 : i32
      %scan3A_72 = arith.constant 160 : i32
      %scan3A_73 = arith.addi %scan3A_71, %scan3A_72 : i32
      %scan3A_74 = arith.constant 1 : i32
      scf.for %scan3A_76 = %scan3A_71 to %scan3A_73 step %scan3A_74  : i32 {
        %mul3A_77 = arith.constant 1 : i32
        %mul3A_78 = arith.muli %scan3A_76, %mul3A_77 : i32
        %add3A_79 = arith.constant 0 : i32
        %add3A_80 = arith.addi %add3A_79, %mul3A_78 : i32
        %shift_right_logical3A = arith.constant 3 : i32
        %shift_right_logical3A_81 = arith.shrui %add3A_80, %shift_right_logical3A : i32
        %and3A = arith.constant 7 : i32
        %and3A_82 = arith.andi %add3A_80, %and3A : i32
        %shift_left3A = arith.constant 4 : i32
        %shift_left3A_83 = arith.shli %and3A_82, %shift_left3A : i32
        %get3A = arith.index_cast %shift_right_logical3A_81 : i32 to index
        %get3A_84 = arith.index_cast %shift_left3A_83 : i32 to index
        %get3A_85 = tpu.vector_load %arg5[%get3A, %get3A_84] {strides = array<i32>} : memref<20x128xi32, #tpu.memory_space<vmem>>, vector<16xi32>,
        %shift_left3A_86 = arith.constant 2 : i32
        %shift_left3A_87 = vector.broadcast %shift_left3A_86 : i32 to vector<16xi32>
        %shift_left3A_88 = arith.shli %get3A_85, %shift_left3A_87 : vector<16xi32>
        %mul3A_89 = arith.constant 64 : i32
        %mul3A_90 = arith.muli %add3A_80, %mul3A_89 : i32
        %add3A_91 = arith.constant 0 : i32
        %add3A_92 = arith.addi %mul3A_90, %add3A_91 : i32
        %add3A_93 = vector.broadcast %add3A_92 : i32 to vector<16xi32>
        %add3A_94 = arith.addi %mul3A_8, %add3A_93 : vector<16xi32>
        %shift_right_logical3A_95 = arith.constant 7 : i32
        %shift_right_logical3A_96 = vector.broadcast %shift_right_logical3A_95 : i32 to vector<16xi32>
        %shift_right_logical3A_97 = arith.shrui %add3A_94, %shift_right_logical3A_96 : vector<16xi32>
        %and3A_98 = arith.constant 127 : i32
        %and3A_99 = vector.broadcast %and3A_98 : i32 to vector<16xi32>
        %and3A_100 = arith.andi %add3A_94, %and3A_99 : vector<16xi32>
        %gather3A = tpu.vector_load_idx %arg6[%shift_right_logical3A_97, %and3A_100] : memref<80x128xf32, #tpu.memory_space<vmem>>[vector<16xi32>, vector<16xi32>], vector<16xf32>,
        %add3A_101 = arith.constant 0 : i32
        %add3A_102 = vector.broadcast %add3A_101 : i32 to vector<16xi32>
        %add3A_103 = arith.addi %shift_left3A_88, %add3A_102 : vector<16xi32>
        %shift_right_logical3A_104 = arith.constant 7 : i32
        %shift_right_logical3A_105 = vector.broadcast %shift_right_logical3A_104 : i32 to vector<16xi32>
        %shift_right_logical3A_106 = arith.shrui %add3A_103, %shift_right_logical3A_105 : vector<16xi32>
        %and3A_107 = arith.constant 127 : i32
        %and3A_108 = vector.broadcast %and3A_107 : i32 to vector<16xi32>
        %and3A_109 = arith.andi %add3A_103, %and3A_108 : vector<16xi32>
        tpu.vector_store_idx %arg7[%shift_right_logical3A_106, %and3A_109], %gather3A {add = true} : memref<320x128xf32, #tpu.memory_space<vmem>>[vector<16xi32>, vector<16xi32>], vector<16xf32>,
        %mul3A_110 = arith.constant 64 : i32
        %mul3A_111 = arith.muli %add3A_80, %mul3A_110 : i32
        %add3A_112 = arith.constant 1 : i32
        %add3A_113 = arith.addi %mul3A_111, %add3A_112 : i32
        %add3A_114 = vector.broadcast %add3A_113 : i32 to vector<16xi32>
        %add3A_115 = arith.addi %mul3A_8, %add3A_114 : vector<16xi32>
        %shift_right_logical3A_116 = arith.constant 7 : i32
        %shift_right_logical3A_117 = vector.broadcast %shift_right_logical3A_116 : i32 to vector<16xi32>
        %shift_right_logical3A_118 = arith.shrui %add3A_115, %shift_right_logical3A_117 : vector<16xi32>
        %and3A_119 = arith.constant 127 : i32
        %and3A_120 = vector.broadcast %and3A_119 : i32 to vector<16xi32>
        %and3A_121 = arith.andi %add3A_115, %and3A_120 : vector<16xi32>
        %gather3A_122 = tpu.vector_load_idx %arg6[%shift_right_logical3A_118, %and3A_121] : memref<80x128xf32, #tpu.memory_space<vmem>>[vector<16xi32>, vector<16xi32>], vector<16xf32>,
        %add3A_123 = arith.constant 1 : i32
        %add3A_124 = vector.broadcast %add3A_123 : i32 to vector<16xi32>
        %add3A_125 = arith.addi %shift_left3A_88, %add3A_124 : vector<16xi32>
        %shift_right_logical3A_126 = arith.constant 7 : i32
        %shift_right_logical3A_127 = vector.broadcast %shift_right_logical3A_126 : i32 to vector<16xi32>
        %shift_right_logical3A_128 = arith.shrui %add3A_125, %shift_right_logical3A_127 : vector<16xi32>
        %and3A_129 = arith.constant 127 : i32
        %and3A_130 = vector.broadcast %and3A_129 : i32 to vector<16xi32>
        %and3A_131 = arith.andi %add3A_125, %and3A_130 : vector<16xi32>
        tpu.vector_store_idx %arg7[%shift_right_logical3A_128, %and3A_131], %gather3A_122 {add = true} : memref<320x128xf32, #tpu.memory_space<vmem>>[vector<16xi32>, vector<16xi32>], vector<16xf32>,
        %mul3A_132 = arith.constant 64 : i32
        %mul3A_133 = arith.muli %add3A_80, %mul3A_132 : i32
        %add3A_134 = arith.constant 2 : i32
        %add3A_135 = arith.addi %mul3A_133, %add3A_134 : i32
        %add3A_136 = vector.broadcast %add3A_135 : i32 to vector<16xi32>
        %add3A_137 = arith.addi %mul3A_8, %add3A_136 : vector<16xi32>
        %shift_right_logical3A_138 = arith.constant 7 : i32
        %shift_right_logical3A_139 = vector.broadcast %shift_right_logical3A_138 : i32 to vector<16xi32>
        %shift_right_logical3A_140 = arith.shrui %add3A_137, %shift_right_logical3A_139 : vector<16xi32>
        %and3A_141 = arith.constant 127 : i32
        %and3A_142 = vector.broadcast %and3A_141 : i32 to vector<16xi32>
        %and3A_143 = arith.andi %add3A_137, %and3A_142 : vector<16xi32>
        %gather3A_144 = tpu.vector_load_idx %arg6[%shift_right_logical3A_140, %and3A_143] : memref<80x128xf32, #tpu.memory_space<vmem>>[vector<16xi32>, vector<16xi32>], vector<16xf32>,
        %add3A_145 = arith.constant 2 : i32
        %add3A_146 = vector.broadcast %add3A_145 : i32 to vector<16xi32>
        %add3A_147 = arith.addi %shift_left3A_88, %add3A_146 : vector<16xi32>
        %shift_right_logical3A_148 = arith.constant 7 : i32
        %shift_right_logical3A_149 = vector.broadcast %shift_right_logical3A_148 : i32 to vector<16xi32>
        %shift_right_logical3A_150 = arith.shrui %add3A_147, %shift_right_logical3A_149 : vector<16xi32>
        %and3A_151 = arith.constant 127 : i32
        %and3A_152 = vector.broadcast %and3A_151 : i32 to vector<16xi32>
        %and3A_153 = arith.andi %add3A_147, %and3A_152 : vector<16xi32>
        tpu.vector_store_idx %arg7[%shift_right_logical3A_150, %and3A_153], %gather3A_144 {add = true} : memref<320x128xf32, #tpu.memory_space<vmem>>[vector<16xi32>, vector<16xi32>], vector<16xf32>,
      }
      %scan3A_75 = arith.constant 160 : i32
    }
    %scan3A_13 = arith.constant 4 : i32
    %dma_start3A = arith.constant 0 : i32
    %dma_start3A_14 = arith.constant 0 : i32
    %dma_start3A_15 = tpu.memref_slice %arg4[%add3A, %dma_start3A, %dma_start3A_14] : memref<32x320x128xf32, #tpu.memory_space<hbm>> -> memref<1x320x128xf32, #tpu.memory_space<hbm>>
    %dma_start3A_16 = tpu.memref_squeeze %dma_start3A_15 : memref<1x320x128xf32, #tpu.memory_space<hbm>> -> memref<320x128xf32, #tpu.memory_space<hbm>>
    %dma_start3A_17 = arith.constant 0 : i32
    %dma_start3A_18 = arith.constant 0 : i32
    %dma_start3A_19 = tpu.memref_slice %arg4[%add3A, %dma_start3A_17, %dma_start3A_18] : memref<32x320x128xf32, #tpu.memory_space<hbm>> -> memref<1x320x128xf32, #tpu.memory_space<hbm>>
    %dma_start3A_20 = tpu.memref_squeeze %dma_start3A_19 : memref<1x320x128xf32, #tpu.memory_space<hbm>> -> memref<320x128xf32, #tpu.memory_space<hbm>>
    tpu.enqueue_dma source(%arg7 : memref<320x128xf32, #tpu.memory_space<vmem>>) target(%dma_start3A_20 : memref<320x128xf32, #tpu.memory_space<hbm>>) target_semaphore(%arg8 : memref<!tpu.dma_semaphore, #tpu.memory_space<semaphore_mem>>)
    %dma_wait3A = arith.constant 0 : i32
    %dma_wait3A_21 = arith.constant 0 : i32
    %dma_wait3A_22 = tpu.memref_slice %arg4[%add3A, %dma_wait3A, %dma_wait3A_21] : memref<32x320x128xf32, #tpu.memory_space<hbm>> -> memref<1x320x128xf32, #tpu.memory_space<hbm>>
    %dma_wait3A_23 = tpu.memref_squeeze %dma_wait3A_22 : memref<1x320x128xf32, #tpu.memory_space<hbm>> -> memref<320x128xf32, #tpu.memory_space<hbm>>
    %dma_wait3A_24 = arith.constant 0 : i32
    %dma_wait3A_25 = arith.constant 0 : i32
    %dma_wait3A_26 = tpu.memref_slice %arg4[%add3A, %dma_wait3A_24, %dma_wait3A_25] : memref<32x320x128xf32, #tpu.memory_space<hbm>> -> memref<1x320x128xf32, #tpu.memory_space<hbm>>
    %dma_wait3A_27 = tpu.memref_squeeze %dma_wait3A_26 : memref<1x320x128xf32, #tpu.memory_space<hbm>> -> memref<320x128xf32, #tpu.memory_space<hbm>>
    tpu.wait_dma2 semaphore(%arg8 : memref<!tpu.dma_semaphore, #tpu.memory_space<semaphore_mem>>) src(%arg7 : memref<320x128xf32, #tpu.memory_space<vmem>>) dst(%dma_wait3A_27 : memref<320x128xf32, #tpu.memory_space<hbm>>)
    return
  }
}

#map = affine_map<(d0, d1) -> (0, 0)>
#map1 = affine_map<(d0, d1) -> (0, 0, 0)>
module attributes {stable_mosaic.version = 14 : i64} {
  func.func @gather_k(%arg0: i32, %arg1: i32, %arg2: memref<10240x128xf32, #tpu.memory_space<hbm>>, %arg3: memref<10240x128xf32, #tpu.memory_space<hbm>>, %arg4: memref<32x80x128xi32, #tpu.memory_space<hbm>>, %arg5: memref<32x80x128xi32, #tpu.memory_space<hbm>>, %arg6: memref<327680x128xf32, #tpu.memory_space<hbm>>, %arg7: memref<327680x128xf32, #tpu.memory_space<hbm>>, %arg8: memref<80x128xi32, #tpu.memory_space<vmem>>, %arg9: memref<80x128xi32, #tpu.memory_space<vmem>>, %arg10: memref<128x128xf32, #tpu.memory_space<vmem>>, %arg11: memref<128x128xf32, #tpu.memory_space<vmem>>, %arg12: memref<!tpu.dma_semaphore, #tpu.memory_space<semaphore_mem>>, %arg13: memref<!tpu.dma_semaphore, #tpu.memory_space<semaphore_mem>>) attributes {dimension_semantics = [#tpu.dimension_semantics<core_parallel>, #tpu.dimension_semantics<subcore_parallel>], iteration_bounds = array<i64: 2, 16>, scalar_prefetch = 0 : i64, scratch_operands = 6 : i64, tpu.core_type = #tpu.core_type<sc_vector_subcore>, window_params = [{transform_indices = #map}, {transform_indices = #map}, {transform_indices = #map1}, {transform_indices = #map1}, {transform_indices = #map}, {transform_indices = #map}]} {
    %mul3A = arith.constant 2 : i32
    %mul3A_0 = arith.muli %arg1, %mul3A : i32
    %add3A = arith.addi %mul3A_0, %arg0 : i32
    %mul3A_1 = arith.constant 10240 : i32
    %mul3A_2 = arith.muli %add3A, %mul3A_1 : i32
    %dma_start3A = arith.constant 0 : i32
    %dma_start3A_3 = arith.constant 0 : i32
    %dma_start3A_4 = tpu.memref_slice %arg4[%add3A, %dma_start3A, %dma_start3A_3] : memref<32x80x128xi32, #tpu.memory_space<hbm>> -> memref<1x80x128xi32, #tpu.memory_space<hbm>>
    %dma_start3A_5 = tpu.memref_squeeze %dma_start3A_4 : memref<1x80x128xi32, #tpu.memory_space<hbm>> -> memref<80x128xi32, #tpu.memory_space<hbm>>
    %dma_start3A_6 = arith.constant 0 : i32
    %dma_start3A_7 = arith.constant 0 : i32
    %dma_start3A_8 = tpu.memref_slice %arg4[%add3A, %dma_start3A_6, %dma_start3A_7] : memref<32x80x128xi32, #tpu.memory_space<hbm>> -> memref<1x80x128xi32, #tpu.memory_space<hbm>>
    %dma_start3A_9 = tpu.memref_squeeze %dma_start3A_8 : memref<1x80x128xi32, #tpu.memory_space<hbm>> -> memref<80x128xi32, #tpu.memory_space<hbm>>
    tpu.enqueue_dma source(%dma_start3A_9 : memref<80x128xi32, #tpu.memory_space<hbm>>) target(%arg8 : memref<80x128xi32, #tpu.memory_space<vmem>>) target_semaphore(%arg12 : memref<!tpu.dma_semaphore, #tpu.memory_space<semaphore_mem>>)
    %dma_wait3A = arith.constant 0 : i32
    %dma_wait3A_10 = arith.constant 0 : i32
    %dma_wait3A_11 = tpu.memref_slice %arg4[%add3A, %dma_wait3A, %dma_wait3A_10] : memref<32x80x128xi32, #tpu.memory_space<hbm>> -> memref<1x80x128xi32, #tpu.memory_space<hbm>>
    %dma_wait3A_12 = tpu.memref_squeeze %dma_wait3A_11 : memref<1x80x128xi32, #tpu.memory_space<hbm>> -> memref<80x128xi32, #tpu.memory_space<hbm>>
    %dma_wait3A_13 = arith.constant 0 : i32
    %dma_wait3A_14 = arith.constant 0 : i32
    %dma_wait3A_15 = tpu.memref_slice %arg4[%add3A, %dma_wait3A_13, %dma_wait3A_14] : memref<32x80x128xi32, #tpu.memory_space<hbm>> -> memref<1x80x128xi32, #tpu.memory_space<hbm>>
    %dma_wait3A_16 = tpu.memref_squeeze %dma_wait3A_15 : memref<1x80x128xi32, #tpu.memory_space<hbm>> -> memref<80x128xi32, #tpu.memory_space<hbm>>
    tpu.wait_dma2 semaphore(%arg12 : memref<!tpu.dma_semaphore, #tpu.memory_space<semaphore_mem>>) src(%dma_wait3A_16 : memref<80x128xi32, #tpu.memory_space<hbm>>) dst(%arg8 : memref<80x128xi32, #tpu.memory_space<vmem>>)
    %dma_start3A_17 = arith.constant 0 : i32
    %dma_start3A_18 = arith.constant 0 : i32
    %dma_start3A_19 = tpu.memref_slice %arg5[%add3A, %dma_start3A_17, %dma_start3A_18] : memref<32x80x128xi32, #tpu.memory_space<hbm>> -> memref<1x80x128xi32, #tpu.memory_space<hbm>>
    %dma_start3A_20 = tpu.memref_squeeze %dma_start3A_19 : memref<1x80x128xi32, #tpu.memory_space<hbm>> -> memref<80x128xi32, #tpu.memory_space<hbm>>
    %dma_start3A_21 = arith.constant 0 : i32
    %dma_start3A_22 = arith.constant 0 : i32
    %dma_start3A_23 = tpu.memref_slice %arg5[%add3A, %dma_start3A_21, %dma_start3A_22] : memref<32x80x128xi32, #tpu.memory_space<hbm>> -> memref<1x80x128xi32, #tpu.memory_space<hbm>>
    %dma_start3A_24 = tpu.memref_squeeze %dma_start3A_23 : memref<1x80x128xi32, #tpu.memory_space<hbm>> -> memref<80x128xi32, #tpu.memory_space<hbm>>
    tpu.enqueue_dma source(%dma_start3A_24 : memref<80x128xi32, #tpu.memory_space<hbm>>) target(%arg9 : memref<80x128xi32, #tpu.memory_space<vmem>>) target_semaphore(%arg13 : memref<!tpu.dma_semaphore, #tpu.memory_space<semaphore_mem>>)
    %dma_wait3A_25 = arith.constant 0 : i32
    %dma_wait3A_26 = arith.constant 0 : i32
    %dma_wait3A_27 = tpu.memref_slice %arg5[%add3A, %dma_wait3A_25, %dma_wait3A_26] : memref<32x80x128xi32, #tpu.memory_space<hbm>> -> memref<1x80x128xi32, #tpu.memory_space<hbm>>
    %dma_wait3A_28 = tpu.memref_squeeze %dma_wait3A_27 : memref<1x80x128xi32, #tpu.memory_space<hbm>> -> memref<80x128xi32, #tpu.memory_space<hbm>>
    %dma_wait3A_29 = arith.constant 0 : i32
    %dma_wait3A_30 = arith.constant 0 : i32
    %dma_wait3A_31 = tpu.memref_slice %arg5[%add3A, %dma_wait3A_29, %dma_wait3A_30] : memref<32x80x128xi32, #tpu.memory_space<hbm>> -> memref<1x80x128xi32, #tpu.memory_space<hbm>>
    %dma_wait3A_32 = tpu.memref_squeeze %dma_wait3A_31 : memref<1x80x128xi32, #tpu.memory_space<hbm>> -> memref<80x128xi32, #tpu.memory_space<hbm>>
    tpu.wait_dma2 semaphore(%arg13 : memref<!tpu.dma_semaphore, #tpu.memory_space<semaphore_mem>>) src(%dma_wait3A_32 : memref<80x128xi32, #tpu.memory_space<hbm>>) dst(%arg9 : memref<80x128xi32, #tpu.memory_space<vmem>>)
    %scan3A = arith.constant 0 : i32
    %scan3A_33 = arith.constant 80 : i32
    %scan3A_34 = arith.addi %scan3A, %scan3A_33 : i32
    %scan3A_35 = arith.constant 1 : i32
    scf.for %scan3A_37 = %scan3A to %scan3A_34 step %scan3A_35  : i32 {
      %mul3A_38 = arith.constant 1 : i32
      %mul3A_39 = arith.muli %scan3A_37, %mul3A_38 : i32
      %add3A_40 = arith.constant 0 : i32
      %add3A_41 = arith.addi %add3A_40, %mul3A_39 : i32
      %dma_start3A_42 = arith.constant 0 : i32
      %dma_start3A_43 = tpu.memref_slice %arg8[%add3A_41, %dma_start3A_42] : memref<80x128xi32, #tpu.memory_space<vmem>> -> memref<1x128xi32, #tpu.memory_space<vmem>>
      %dma_start3A_44 = tpu.memref_squeeze %dma_start3A_43 : memref<1x128xi32, #tpu.memory_space<vmem>> -> memref<128xi32, #tpu.memory_space<vmem>>
      %dma_start3A_45 = arith.constant 0 : i32
      %dma_start3A_46 = arith.constant 0 : i32
      %dma_start3A_47 = tpu.memref_slice %arg2[%dma_start3A_45, %dma_start3A_46] : memref<10240x128xf32, #tpu.memory_space<hbm>> -> memref<10240x128xf32, #tpu.memory_space<hbm>>
      tpu.enqueue_indirect_dma source(%dma_start3A_47 : memref<10240x128xf32, #tpu.memory_space<hbm>>) target(%arg10 : memref<128x128xf32, #tpu.memory_space<vmem>>) offsets(%dma_start3A_44 : memref<128xi32, #tpu.memory_space<vmem>>) semaphore(%arg12 : memref<!tpu.dma_semaphore, #tpu.memory_space<semaphore_mem>>)
      %dma_start3A_48 = arith.constant 0 : i32
      %dma_start3A_49 = tpu.memref_slice %arg9[%add3A_41, %dma_start3A_48] : memref<80x128xi32, #tpu.memory_space<vmem>> -> memref<1x128xi32, #tpu.memory_space<vmem>>
      %dma_start3A_50 = tpu.memref_squeeze %dma_start3A_49 : memref<1x128xi32, #tpu.memory_space<vmem>> -> memref<128xi32, #tpu.memory_space<vmem>>
      %dma_start3A_51 = arith.constant 0 : i32
      %dma_start3A_52 = arith.constant 0 : i32
      %dma_start3A_53 = tpu.memref_slice %arg3[%dma_start3A_51, %dma_start3A_52] : memref<10240x128xf32, #tpu.memory_space<hbm>> -> memref<10240x128xf32, #tpu.memory_space<hbm>>
      tpu.enqueue_indirect_dma source(%dma_start3A_53 : memref<10240x128xf32, #tpu.memory_space<hbm>>) target(%arg11 : memref<128x128xf32, #tpu.memory_space<vmem>>) offsets(%dma_start3A_50 : memref<128xi32, #tpu.memory_space<vmem>>) semaphore(%arg13 : memref<!tpu.dma_semaphore, #tpu.memory_space<semaphore_mem>>)
      %dma_wait3A_54 = arith.constant 0 : i32
      %dma_wait3A_55 = tpu.memref_slice %arg8[%add3A_41, %dma_wait3A_54] : memref<80x128xi32, #tpu.memory_space<vmem>> -> memref<1x128xi32, #tpu.memory_space<vmem>>
      %dma_wait3A_56 = tpu.memref_squeeze %dma_wait3A_55 : memref<1x128xi32, #tpu.memory_space<vmem>> -> memref<128xi32, #tpu.memory_space<vmem>>
      %dma_wait3A_57 = arith.constant 0 : i32
      %dma_wait3A_58 = arith.constant 0 : i32
      %dma_wait3A_59 = tpu.memref_slice %arg2[%dma_wait3A_57, %dma_wait3A_58] : memref<10240x128xf32, #tpu.memory_space<hbm>> -> memref<10240x128xf32, #tpu.memory_space<hbm>>
      tpu.wait_indirect_dma semaphore(%arg12 : memref<!tpu.dma_semaphore, #tpu.memory_space<semaphore_mem>>) src(%dma_wait3A_59 : memref<10240x128xf32, #tpu.memory_space<hbm>>) dst(%arg10 : memref<128x128xf32, #tpu.memory_space<vmem>>)
      %mul3A_60 = arith.constant 128 : i32
      %mul3A_61 = arith.muli %add3A_41, %mul3A_60 : i32
      %add3A_62 = arith.addi %mul3A_2, %mul3A_61 : i32
      %dma_start3A_63 = arith.constant 0 : i32
      %dma_start3A_64 = tpu.memref_slice %arg6[%add3A_62, %dma_start3A_63] : memref<327680x128xf32, #tpu.memory_space<hbm>> -> memref<128x128xf32, #tpu.memory_space<hbm>>
      %dma_start3A_65 = arith.constant 0 : i32
      %dma_start3A_66 = tpu.memref_slice %arg6[%add3A_62, %dma_start3A_65] : memref<327680x128xf32, #tpu.memory_space<hbm>> -> memref<128x128xf32, #tpu.memory_space<hbm>>
      tpu.enqueue_dma source(%arg10 : memref<128x128xf32, #tpu.memory_space<vmem>>) target(%dma_start3A_66 : memref<128x128xf32, #tpu.memory_space<hbm>>) target_semaphore(%arg12 : memref<!tpu.dma_semaphore, #tpu.memory_space<semaphore_mem>>)
      %dma_wait3A_67 = arith.constant 0 : i32
      %dma_wait3A_68 = tpu.memref_slice %arg6[%add3A_62, %dma_wait3A_67] : memref<327680x128xf32, #tpu.memory_space<hbm>> -> memref<128x128xf32, #tpu.memory_space<hbm>>
      %dma_wait3A_69 = arith.constant 0 : i32
      %dma_wait3A_70 = tpu.memref_slice %arg6[%add3A_62, %dma_wait3A_69] : memref<327680x128xf32, #tpu.memory_space<hbm>> -> memref<128x128xf32, #tpu.memory_space<hbm>>
      tpu.wait_dma2 semaphore(%arg12 : memref<!tpu.dma_semaphore, #tpu.memory_space<semaphore_mem>>) src(%arg10 : memref<128x128xf32, #tpu.memory_space<vmem>>) dst(%dma_wait3A_70 : memref<128x128xf32, #tpu.memory_space<hbm>>)
      %dma_wait3A_71 = arith.constant 0 : i32
      %dma_wait3A_72 = tpu.memref_slice %arg9[%add3A_41, %dma_wait3A_71] : memref<80x128xi32, #tpu.memory_space<vmem>> -> memref<1x128xi32, #tpu.memory_space<vmem>>
      %dma_wait3A_73 = tpu.memref_squeeze %dma_wait3A_72 : memref<1x128xi32, #tpu.memory_space<vmem>> -> memref<128xi32, #tpu.memory_space<vmem>>
      %dma_wait3A_74 = arith.constant 0 : i32
      %dma_wait3A_75 = arith.constant 0 : i32
      %dma_wait3A_76 = tpu.memref_slice %arg3[%dma_wait3A_74, %dma_wait3A_75] : memref<10240x128xf32, #tpu.memory_space<hbm>> -> memref<10240x128xf32, #tpu.memory_space<hbm>>
      tpu.wait_indirect_dma semaphore(%arg13 : memref<!tpu.dma_semaphore, #tpu.memory_space<semaphore_mem>>) src(%dma_wait3A_76 : memref<10240x128xf32, #tpu.memory_space<hbm>>) dst(%arg11 : memref<128x128xf32, #tpu.memory_space<vmem>>)
      %mul3A_77 = arith.constant 128 : i32
      %mul3A_78 = arith.muli %add3A_41, %mul3A_77 : i32
      %add3A_79 = arith.addi %mul3A_2, %mul3A_78 : i32
      %dma_start3A_80 = arith.constant 0 : i32
      %dma_start3A_81 = tpu.memref_slice %arg7[%add3A_79, %dma_start3A_80] : memref<327680x128xf32, #tpu.memory_space<hbm>> -> memref<128x128xf32, #tpu.memory_space<hbm>>
      %dma_start3A_82 = arith.constant 0 : i32
      %dma_start3A_83 = tpu.memref_slice %arg7[%add3A_79, %dma_start3A_82] : memref<327680x128xf32, #tpu.memory_space<hbm>> -> memref<128x128xf32, #tpu.memory_space<hbm>>
      tpu.enqueue_dma source(%arg11 : memref<128x128xf32, #tpu.memory_space<vmem>>) target(%dma_start3A_83 : memref<128x128xf32, #tpu.memory_space<hbm>>) target_semaphore(%arg13 : memref<!tpu.dma_semaphore, #tpu.memory_space<semaphore_mem>>)
      %dma_wait3A_84 = arith.constant 0 : i32
      %dma_wait3A_85 = tpu.memref_slice %arg7[%add3A_79, %dma_wait3A_84] : memref<327680x128xf32, #tpu.memory_space<hbm>> -> memref<128x128xf32, #tpu.memory_space<hbm>>
      %dma_wait3A_86 = arith.constant 0 : i32
      %dma_wait3A_87 = tpu.memref_slice %arg7[%add3A_79, %dma_wait3A_86] : memref<327680x128xf32, #tpu.memory_space<hbm>> -> memref<128x128xf32, #tpu.memory_space<hbm>>
      tpu.wait_dma2 semaphore(%arg13 : memref<!tpu.dma_semaphore, #tpu.memory_space<semaphore_mem>>) src(%arg11 : memref<128x128xf32, #tpu.memory_space<vmem>>) dst(%dma_wait3A_87 : memref<128x128xf32, #tpu.memory_space<hbm>>)
    }
    %scan3A_36 = arith.constant 80 : i32
    return
  }
}

module attributes {stable_mosaic.version = 14 : i64} {
  func.func @_dense_body(%arg0: i32, %arg1: memref<2048x128xf32, #tpu.memory_space<vmem>>, %arg2: memref<2048x4xf32, #tpu.memory_space<vmem>>, %arg3: memref<2048x512xf32, #tpu.memory_space<vmem>>, %arg4: memref<512x128xf32, #tpu.memory_space<vmem>>, %arg5: memref<512x4xf32, #tpu.memory_space<vmem>>, %arg6: memref<128x128xf32, #tpu.memory_space<vmem>>, %arg7: memref<128x128xf32, #tpu.memory_space<vmem>>, %arg8: memref<128x128xf32, #tpu.memory_space<vmem>>, %arg9: memref<128x128xf32, #tpu.memory_space<vmem>>, %arg10: memref<8x128xf32, #tpu.memory_space<vmem>>, %arg11: memref<128x128xf32, #tpu.memory_space<vmem>>, %arg12: memref<128x128xf32, #tpu.memory_space<vmem>>, %arg13: memref<8x128xf32, #tpu.memory_space<vmem>>, %arg14: memref<8x128xf32, #tpu.memory_space<vmem>>, %arg15: memref<128x128xf32, #tpu.memory_space<vmem>>, %arg16: memref<8x128xf32, #tpu.memory_space<vmem>>, %arg17: memref<8x128xf32, #tpu.memory_space<vmem>>, %arg18: memref<2048x128xf32, #tpu.memory_space<vmem>>, %arg19: memref<2048x128xf32, #tpu.memory_space<vmem>>, %arg20: memref<128x128xf32, #tpu.memory_space<vmem>>, %arg21: memref<2048x4xf32, #tpu.memory_space<vmem>>) attributes {dimension_semantics = [#tpu.dimension_semantics<arbitrary>], iteration_bounds = array<i64: 5>, scalar_prefetch = 0 : i64, scratch_operands = 0 : i64, tpu.core_type = #tpu.core_type<tc>, window_params = [{transform_indices = @transform_0, window_bounds = array<i64: 2048, 128>}, {transform_indices = @transform_1, window_bounds = array<i64: 2048, 4>}, {transform_indices = @transform_2, window_bounds = array<i64: 2048, 512>}, {pipeline_mode = #tpu.pipeline_mode<synchronous>, transform_indices = @transform_3, window_bounds = array<i64: 512, 128>}, {pipeline_mode = #tpu.pipeline_mode<synchronous>, transform_indices = @transform_4, window_bounds = array<i64: 512, 4>}, {pipeline_mode = #tpu.pipeline_mode<synchronous>, transform_indices = @transform_5, window_bounds = array<i64: 128, 128>}, {pipeline_mode = #tpu.pipeline_mode<synchronous>, transform_indices = @transform_6, window_bounds = array<i64: 128, 128>}, {pipeline_mode = #tpu.pipeline_mode<synchronous>, transform_indices = @transform_7, window_bounds = array<i64: 128, 128>}, {pipeline_mode = #tpu.pipeline_mode<synchronous>, transform_indices = @transform_8, window_bounds = array<i64: 128, 128>}, {pipeline_mode = #tpu.pipeline_mode<synchronous>, transform_indices = @transform_9, window_bounds = array<i64: 8, 128>}, {pipeline_mode = #tpu.pipeline_mode<synchronous>, transform_indices = @transform_10, window_bounds = array<i64: 128, 128>}, {pipeline_mode = #tpu.pipeline_mode<synchronous>, transform_indices = @transform_11, window_bounds = array<i64: 128, 128>}, {pipeline_mode = #tpu.pipeline_mode<synchronous>, transform_indices = @transform_12, window_bounds = array<i64: 8, 128>}, {pipeline_mode = #tpu.pipeline_mode<synchronous>, transform_indices = @transform_13, window_bounds = array<i64: 8, 128>}, {pipeline_mode = #tpu.pipeline_mode<synchronous>, transform_indices = @transform_14, window_bounds = array<i64: 128, 128>}, {pipeline_mode = #tpu.pipeline_mode<synchronous>, transform_indices = @transform_15, window_bounds = array<i64: 8, 128>}, {pipeline_mode = #tpu.pipeline_mode<synchronous>, transform_indices = @transform_16, window_bounds = array<i64: 8, 128>}, {transform_indices = @transform_17, window_bounds = array<i64: 2048, 128>}, {transform_indices = @transform_18, window_bounds = array<i64: 2048, 128>}, {pipeline_mode = #tpu.pipeline_mode<synchronous>, transform_indices = @transform_19, window_bounds = array<i64: 128, 128>}, {transform_indices = @transform_20, window_bounds = array<i64: 2048, 4>}]} {
    %get3A = arith.constant 0 : index
    %get3A_0 = arith.constant 0 : index
    %get3A_1 = vector.load %arg1[%get3A, %get3A_0] : memref<2048x128xf32, #tpu.memory_space<vmem>>, vector<2048x128xf32>
    %convert_element_type3A = arith.truncf %get3A_1 : vector<2048x128xf32> to vector<2048x128xbf16>
    %get3A_2 = arith.constant 0 : index
    %get3A_3 = arith.constant 0 : index
    %get3A_4 = vector.load %arg7[%get3A_2, %get3A_3] : memref<128x128xf32, #tpu.memory_space<vmem>>, vector<128x128xf32>
    %convert_element_type3A_5 = arith.truncf %get3A_4 : vector<128x128xf32> to vector<128x128xbf16>
    %dot_general3A = arith.constant dense<0.000000e+00> : vector<2048x128xf32>
    %dot_general3A_6 = tpu.matmul %convert_element_type3A, %convert_element_type3A_5, %dot_general3A {dimension_numbers = #tpu.dot_dimension_numbers<[1], [0], [0], [1], [0, 0, 1, 1], [], []>, transpose_lhs_hint = false} : vector<2048x128xbf16>, vector<128x128xbf16>, vector<2048x128xf32> -> vector<2048x128xf32>
    %swap3A = arith.constant 0 : index
    %swap3A_7 = arith.constant 0 : index
    %swap3A_8 = vector.load %arg18[%swap3A, %swap3A_7] : memref<2048x128xf32, #tpu.memory_space<vmem>>, vector<2048x128xf32>
    tpu.vector_store %arg18[%swap3A, %swap3A_7], %dot_general3A_6 {strides = array<i32>} : memref<2048x128xf32, #tpu.memory_space<vmem>>, vector<2048x128xf32>,
    %get3A_9 = arith.constant 0 : index
    %get3A_10 = arith.constant 0 : index
    %get3A_11 = vector.load %arg8[%get3A_9, %get3A_10] : memref<128x128xf32, #tpu.memory_space<vmem>>, vector<128x128xf32>
    %convert_element_type3A_12 = arith.truncf %get3A_11 : vector<128x128xf32> to vector<128x128xbf16>
    %dot_general3A_13 = arith.constant dense<0.000000e+00> : vector<2048x128xf32>
    %dot_general3A_14 = tpu.matmul %convert_element_type3A, %convert_element_type3A_12, %dot_general3A_13 {dimension_numbers = #tpu.dot_dimension_numbers<[1], [0], [0], [1], [0, 0, 1, 1], [], []>, transpose_lhs_hint = false} : vector<2048x128xbf16>, vector<128x128xbf16>, vector<2048x128xf32> -> vector<2048x128xf32>
    %swap3A_15 = arith.constant 0 : index
    %swap3A_16 = arith.constant 0 : index
    %swap3A_17 = vector.load %arg19[%swap3A_15, %swap3A_16] : memref<2048x128xf32, #tpu.memory_space<vmem>>, vector<2048x128xf32>
    tpu.vector_store %arg19[%swap3A_15, %swap3A_16], %dot_general3A_14 {strides = array<i32>} : memref<2048x128xf32, #tpu.memory_space<vmem>>, vector<2048x128xf32>,
    %get3A_18 = arith.constant 0 : index
    %get3A_19 = arith.constant 0 : index
    %get3A_20 = vector.load %arg3[%get3A_18, %get3A_19] : memref<2048x512xf32, #tpu.memory_space<vmem>>, vector<2048x512xf32>
    %convert_element_type3A_21 = arith.truncf %get3A_20 : vector<2048x512xf32> to vector<2048x512xbf16>
    %get3A_22 = arith.constant 0 : index
    %get3A_23 = arith.constant 0 : index
    %get3A_24 = vector.load %arg4[%get3A_22, %get3A_23] : memref<512x128xf32, #tpu.memory_space<vmem>>, vector<512x128xf32>
    %convert_element_type3A_25 = arith.truncf %get3A_24 : vector<512x128xf32> to vector<512x128xbf16>
    %dot_general3A_26 = arith.constant dense<0.000000e+00> : vector<2048x128xf32>
    %dot_general3A_27 = tpu.matmul %convert_element_type3A_21, %convert_element_type3A_25, %dot_general3A_26 {dimension_numbers = #tpu.dot_dimension_numbers<[1], [0], [0], [1], [0, 0, 1, 1], [], []>, transpose_lhs_hint = false} : vector<2048x512xbf16>, vector<512x128xbf16>, vector<2048x128xf32> -> vector<2048x128xf32>
    %get3A_28 = arith.constant 0 : index
    %get3A_29 = arith.constant 0 : index
    %get3A_30 = vector.load %arg5[%get3A_28, %get3A_29] : memref<512x4xf32, #tpu.memory_space<vmem>>, vector<512x4xf32>
    %dot_general3A_31 = arith.constant dense<0.000000e+00> : vector<2048x4xf32>
    %dot_general3A_32 = tpu.matmul %get3A_20, %get3A_30, %dot_general3A_31 {dimension_numbers = #tpu.dot_dimension_numbers<[1], [0], [0], [1], [0, 0, 1, 1], [], []>, transpose_lhs_hint = false} : vector<2048x512xf32>, vector<512x4xf32>, vector<2048x4xf32> -> vector<2048x4xf32>
    %get3A_33 = arith.constant 0 : index
    %get3A_34 = arith.constant 0 : index
    %get3A_35 = vector.load %arg2[%get3A_33, %get3A_34] : memref<2048x4xf32, #tpu.memory_space<vmem>>, vector<2048x4xf32>
    %sub3A = arith.subf %get3A_35, %dot_general3A_32 : vector<2048x4xf32>
    %mul3A = arith.mulf %sub3A, %sub3A : vector<2048x4xf32>
    %reduce_sum3A = arith.constant dense<0.000000e+00> : vector<2048xf32>
    %reduce_sum3A_36 = vector.multi_reduction <add>, %mul3A, %reduce_sum3A [1] : vector<2048x4xf32> to vector<2048xf32>
    %broadcast_in_dim3A = vector.shape_cast %reduce_sum3A_36 : vector<2048xf32> to vector<2048x1xf32>
    %add3A = arith.constant 9.99999993E-9 : f32
    %add3A_37 = vector.broadcast %add3A : f32 to vector<2048x1xf32>
    %add3A_38 = arith.addf %broadcast_in_dim3A, %add3A_37 : vector<2048x1xf32>
    %sqrt3A = math.sqrt %add3A_38 : vector<2048x1xf32>
    %add3A_39 = arith.constant 1.000000e+00 : f32
    %add3A_40 = vector.broadcast %add3A_39 : f32 to vector<2048x1xf32>
    %add3A_41 = arith.addf %sqrt3A, %add3A_40 : vector<2048x1xf32>
    %div3A = vector.broadcast %add3A_41 : vector<2048x1xf32> to vector<2048x4xf32>
    %div3A_42 = arith.divf %sub3A, %div3A : vector<2048x4xf32>
    %get3A_43 = arith.constant 0 : index
    %get3A_44 = arith.constant 0 : index
    %get3A_45 = vector.load %arg11[%get3A_43, %get3A_44] : memref<128x128xf32, #tpu.memory_space<vmem>>, vector<128x128xf32>
    %convert_element_type3A_46 = arith.truncf %get3A_45 : vector<128x128xf32> to vector<128x128xbf16>
    %dot_general3A_47 = arith.constant dense<0.000000e+00> : vector<2048x128xf32>
    %dot_general3A_48 = tpu.matmul %convert_element_type3A, %convert_element_type3A_46, %dot_general3A_47 {dimension_numbers = #tpu.dot_dimension_numbers<[1], [0], [0], [1], [0, 0, 1, 1], [], []>, transpose_lhs_hint = false} : vector<2048x128xbf16>, vector<128x128xbf16>, vector<2048x128xf32> -> vector<2048x128xf32>
    %convert_element_type3A_49 = arith.truncf %dot_general3A_27 : vector<2048x128xf32> to vector<2048x128xbf16>
    %get3A_50 = arith.constant 0 : index
    %get3A_51 = arith.constant 0 : index
    %get3A_52 = vector.load %arg12[%get3A_50, %get3A_51] : memref<128x128xf32, #tpu.memory_space<vmem>>, vector<128x128xf32>
    %convert_element_type3A_53 = arith.truncf %get3A_52 : vector<128x128xf32> to vector<128x128xbf16>
    %dot_general3A_54 = arith.constant dense<0.000000e+00> : vector<2048x128xf32>
    %dot_general3A_55 = tpu.matmul %convert_element_type3A_49, %convert_element_type3A_53, %dot_general3A_54 {dimension_numbers = #tpu.dot_dimension_numbers<[1], [0], [0], [1], [0, 0, 1, 1], [], []>, transpose_lhs_hint = false} : vector<2048x128xbf16>, vector<128x128xbf16>, vector<2048x128xf32> -> vector<2048x128xf32>
    %add3A_56 = arith.addf %dot_general3A_48, %dot_general3A_55 : vector<2048x128xf32>
    %get3A_57 = arith.constant 0 : index
    %get3A_58 = arith.constant 0 : index
    %get3A_59 = vector.load %arg13[%get3A_57, %get3A_58] : memref<8x128xf32, #tpu.memory_space<vmem>>, vector<1x128xf32>
    %mul3A_60 = vector.broadcast %broadcast_in_dim3A : vector<2048x1xf32> to vector<2048x128xf32>
    %mul3A_61 = vector.broadcast %get3A_59 : vector<1x128xf32> to vector<2048x128xf32>
    %mul3A_62 = arith.mulf %mul3A_60, %mul3A_61 : vector<2048x128xf32>
    %add3A_63 = arith.addf %add3A_56, %mul3A_62 : vector<2048x128xf32>
    %get3A_64 = arith.constant 0 : index
    %get3A_65 = arith.constant 0 : index
    %get3A_66 = vector.load %arg14[%get3A_64, %get3A_65] : memref<8x128xf32, #tpu.memory_space<vmem>>, vector<1x128xf32>
    %add3A_67 = vector.broadcast %get3A_66 : vector<1x128xf32> to vector<2048x128xf32>
    %add3A_68 = arith.addf %add3A_63, %add3A_67 : vector<2048x128xf32>
    %neg3A = arith.constant 0.000000e+00 : f32
    %neg3A_69 = vector.broadcast %neg3A : f32 to vector<2048x128xf32>
    %neg3A_70 = arith.subf %neg3A_69, %add3A_68 : vector<2048x128xf32>
    %exp3A = math.exp %neg3A_70 : vector<2048x128xf32>
    %add3A_71 = arith.constant 1.000000e+00 : f32
    %add3A_72 = vector.broadcast %add3A_71 : f32 to vector<2048x128xf32>
    %add3A_73 = arith.addf %add3A_72, %exp3A : vector<2048x128xf32>
    %div3A_74 = arith.divf %add3A_68, %add3A_73 : vector<2048x128xf32>
    %convert_element_type3A_75 = arith.truncf %div3A_74 : vector<2048x128xf32> to vector<2048x128xbf16>
    %get3A_76 = arith.constant 0 : index
    %get3A_77 = arith.constant 0 : index
    %get3A_78 = vector.load %arg15[%get3A_76, %get3A_77] : memref<128x128xf32, #tpu.memory_space<vmem>>, vector<128x128xf32>
    %convert_element_type3A_79 = arith.truncf %get3A_78 : vector<128x128xf32> to vector<128x128xbf16>
    %dot_general3A_80 = arith.constant dense<0.000000e+00> : vector<2048x128xf32>
    %dot_general3A_81 = tpu.matmul %convert_element_type3A_75, %convert_element_type3A_79, %dot_general3A_80 {dimension_numbers = #tpu.dot_dimension_numbers<[1], [0], [0], [1], [0, 0, 1, 1], [], []>, transpose_lhs_hint = false} : vector<2048x128xbf16>, vector<128x128xbf16>, vector<2048x128xf32> -> vector<2048x128xf32>
    %get3A_82 = arith.constant 0 : index
    %get3A_83 = arith.constant 0 : index
    %get3A_84 = vector.load %arg16[%get3A_82, %get3A_83] : memref<8x128xf32, #tpu.memory_space<vmem>>, vector<1x128xf32>
    %add3A_85 = vector.broadcast %get3A_84 : vector<1x128xf32> to vector<2048x128xf32>
    %add3A_86 = arith.addf %dot_general3A_81, %add3A_85 : vector<2048x128xf32>
    %neg3A_87 = arith.constant 0.000000e+00 : f32
    %neg3A_88 = vector.broadcast %neg3A_87 : f32 to vector<2048x128xf32>
    %neg3A_89 = arith.subf %neg3A_88, %add3A_86 : vector<2048x128xf32>
    %exp3A_90 = math.exp %neg3A_89 : vector<2048x128xf32>
    %add3A_91 = arith.constant 1.000000e+00 : f32
    %add3A_92 = vector.broadcast %add3A_91 : f32 to vector<2048x128xf32>
    %add3A_93 = arith.addf %add3A_92, %exp3A_90 : vector<2048x128xf32>
    %div3A_94 = arith.divf %add3A_86, %add3A_93 : vector<2048x128xf32>
    %get3A_95 = arith.constant 0 : index
    %get3A_96 = arith.constant 0 : index
    %get3A_97 = vector.load %arg17[%get3A_95, %get3A_96] : memref<8x128xf32, #tpu.memory_space<vmem>>, vector<1x128xf32>
    %mul3A_98 = vector.broadcast %get3A_97 : vector<1x128xf32> to vector<2048x128xf32>
    %mul3A_99 = arith.mulf %div3A_94, %mul3A_98 : vector<2048x128xf32>
    %reduce_sum3A_100 = arith.constant dense<0.000000e+00> : vector<2048xf32>
    %reduce_sum3A_101 = vector.multi_reduction <add>, %mul3A_99, %reduce_sum3A_100 [1] : vector<2048x128xf32> to vector<2048xf32>
    %broadcast_in_dim3A_102 = vector.shape_cast %reduce_sum3A_101 : vector<2048xf32> to vector<2048x1xf32>
    %mul3A_103 = vector.broadcast %broadcast_in_dim3A_102 : vector<2048x1xf32> to vector<2048x4xf32>
    %mul3A_104 = arith.mulf %div3A_42, %mul3A_103 : vector<2048x4xf32>
    %add3A_105 = arith.addf %get3A_35, %mul3A_104 : vector<2048x4xf32>
    %swap3A_106 = arith.constant 0 : index
    %swap3A_107 = arith.constant 0 : index
    %swap3A_108 = vector.load %arg21[%swap3A_106, %swap3A_107] : memref<2048x4xf32, #tpu.memory_space<vmem>>, vector<2048x4xf32>
    tpu.vector_store %arg21[%swap3A_106, %swap3A_107], %add3A_105 {strides = array<i32>} : memref<2048x4xf32, #tpu.memory_space<vmem>>, vector<2048x4xf32>,
    %eq3A = arith.constant 0 : i32
    %eq3A_109 = arith.cmpi eq, %arg0, %eq3A : i32
    %convert_element_type3A_110 = arith.extui %eq3A_109 : i1 to i32
    %cond3A = arith.constant 0 : i32
    %cond3A_111 = arith.cmpi ne, %convert_element_type3A_110, %cond3A : i32
    scf.if %cond3A_111 {
      %get3A_112 = arith.constant 0 : index
      %get3A_113 = arith.constant 0 : index
      %get3A_114 = vector.load %arg6[%get3A_112, %get3A_113] : memref<128x128xf32, #tpu.memory_space<vmem>>, vector<128x128xf32>
      %convert_element_type3A_115 = arith.truncf %get3A_114 : vector<128x128xf32> to vector<128x128xbf16>
      %get3A_116 = arith.constant 0 : index
      %get3A_117 = arith.constant 0 : index
      %get3A_118 = vector.load %arg9[%get3A_116, %get3A_117] : memref<128x128xf32, #tpu.memory_space<vmem>>, vector<128x128xf32>
      %convert_element_type3A_119 = arith.truncf %get3A_118 : vector<128x128xf32> to vector<128x128xbf16>
      %dot_general3A_120 = arith.constant dense<0.000000e+00> : vector<128x128xf32>
      %dot_general3A_121 = tpu.matmul %convert_element_type3A_115, %convert_element_type3A_119, %dot_general3A_120 {dimension_numbers = #tpu.dot_dimension_numbers<[1], [0], [0], [1], [0, 0, 1, 1], [], []>, transpose_lhs_hint = false} : vector<128x128xbf16>, vector<128x128xbf16>, vector<128x128xf32> -> vector<128x128xf32>
      %get3A_122 = arith.constant 0 : index
      %get3A_123 = arith.constant 0 : index
      %get3A_124 = vector.load %arg10[%get3A_122, %get3A_123] : memref<8x128xf32, #tpu.memory_space<vmem>>, vector<1x128xf32>
      %add3A_125 = vector.broadcast %get3A_124 : vector<1x128xf32> to vector<128x128xf32>
      %add3A_126 = arith.addf %dot_general3A_121, %add3A_125 : vector<128x128xf32>
      %swap3A_127 = arith.constant 0 : index
      %swap3A_128 = arith.constant 0 : index
      %swap3A_129 = vector.load %arg20[%swap3A_127, %swap3A_128] : memref<128x128xf32, #tpu.memory_space<vmem>>, vector<128x128xf32>
      tpu.vector_store %arg20[%swap3A_127, %swap3A_128], %add3A_126 {strides = array<i32>} : memref<128x128xf32, #tpu.memory_space<vmem>>, vector<128x128xf32>,
    } else {
    }
    return
  }
  func.func @transform_0(%arg0: i32) -> (i32, i32) {
    %c0_i32 = arith.constant 0 : i32
    %c0_i32_0 = arith.constant 0 : i32
    return %arg0, %c0_i32 : i32, i32
  }
  func.func @transform_1(%arg0: i32) -> (i32, i32) {
    %c0_i32 = arith.constant 0 : i32
    %c0_i32_0 = arith.constant 0 : i32
    return %arg0, %c0_i32 : i32, i32
  }
  func.func @transform_2(%arg0: i32) -> (i32, i32) {
    %c0_i32 = arith.constant 0 : i32
    %c0_i32_0 = arith.constant 0 : i32
    return %arg0, %c0_i32 : i32, i32
  }
  func.func @transform_3(%arg0: i32) -> (i32, i32) {
    %c0_i32 = arith.constant 0 : i32
    %c0_i32_0 = arith.constant 0 : i32
    %c0_i32_1 = arith.constant 0 : i32
    return %c0_i32, %c0_i32_0 : i32, i32
  }
  func.func @transform_4(%arg0: i32) -> (i32, i32) {
    %c0_i32 = arith.constant 0 : i32
    %c0_i32_0 = arith.constant 0 : i32
    %c0_i32_1 = arith.constant 0 : i32
    return %c0_i32, %c0_i32_0 : i32, i32
  }
  func.func @transform_5(%arg0: i32) -> (i32, i32) {
    %c0_i32 = arith.constant 0 : i32
    %c0_i32_0 = arith.constant 0 : i32
    %c0_i32_1 = arith.constant 0 : i32
    return %c0_i32, %c0_i32_0 : i32, i32
  }
  func.func @transform_6(%arg0: i32) -> (i32, i32) {
    %c0_i32 = arith.constant 0 : i32
    %c0_i32_0 = arith.constant 0 : i32
    %c0_i32_1 = arith.constant 0 : i32
    return %c0_i32, %c0_i32_0 : i32, i32
  }
  func.func @transform_7(%arg0: i32) -> (i32, i32) {
    %c0_i32 = arith.constant 0 : i32
    %c0_i32_0 = arith.constant 0 : i32
    %c0_i32_1 = arith.constant 0 : i32
    return %c0_i32, %c0_i32_0 : i32, i32
  }
  func.func @transform_8(%arg0: i32) -> (i32, i32) {
    %c0_i32 = arith.constant 0 : i32
    %c0_i32_0 = arith.constant 0 : i32
    %c0_i32_1 = arith.constant 0 : i32
    return %c0_i32, %c0_i32_0 : i32, i32
  }
  func.func @transform_9(%arg0: i32) -> (i32, i32) {
    %c0_i32 = arith.constant 0 : i32
    %c0_i32_0 = arith.constant 0 : i32
    %c0_i32_1 = arith.constant 0 : i32
    return %c0_i32, %c0_i32_0 : i32, i32
  }
  func.func @transform_10(%arg0: i32) -> (i32, i32) {
    %c0_i32 = arith.constant 0 : i32
    %c0_i32_0 = arith.constant 0 : i32
    %c0_i32_1 = arith.constant 0 : i32
    return %c0_i32, %c0_i32_0 : i32, i32
  }
  func.func @transform_11(%arg0: i32) -> (i32, i32) {
    %c0_i32 = arith.constant 0 : i32
    %c0_i32_0 = arith.constant 0 : i32
    %c0_i32_1 = arith.constant 0 : i32
    return %c0_i32, %c0_i32_0 : i32, i32
  }
  func.func @transform_12(%arg0: i32) -> (i32, i32) {
    %c0_i32 = arith.constant 0 : i32
    %c0_i32_0 = arith.constant 0 : i32
    %c0_i32_1 = arith.constant 0 : i32
    return %c0_i32, %c0_i32_0 : i32, i32
  }
  func.func @transform_13(%arg0: i32) -> (i32, i32) {
    %c0_i32 = arith.constant 0 : i32
    %c0_i32_0 = arith.constant 0 : i32
    %c0_i32_1 = arith.constant 0 : i32
    return %c0_i32, %c0_i32_0 : i32, i32
  }
  func.func @transform_14(%arg0: i32) -> (i32, i32) {
    %c0_i32 = arith.constant 0 : i32
    %c0_i32_0 = arith.constant 0 : i32
    %c0_i32_1 = arith.constant 0 : i32
    return %c0_i32, %c0_i32_0 : i32, i32
  }
  func.func @transform_15(%arg0: i32) -> (i32, i32) {
    %c0_i32 = arith.constant 0 : i32
    %c0_i32_0 = arith.constant 0 : i32
    %c0_i32_1 = arith.constant 0 : i32
    return %c0_i32, %c0_i32_0 : i32, i32
  }
  func.func @transform_16(%arg0: i32) -> (i32, i32) {
    %c0_i32 = arith.constant 0 : i32
    %c0_i32_0 = arith.constant 0 : i32
    %c0_i32_1 = arith.constant 0 : i32
    return %c0_i32, %c0_i32_0 : i32, i32
  }
  func.func @transform_17(%arg0: i32) -> (i32, i32) {
    %c0_i32 = arith.constant 0 : i32
    %c0_i32_0 = arith.constant 0 : i32
    return %arg0, %c0_i32 : i32, i32
  }
  func.func @transform_18(%arg0: i32) -> (i32, i32) {
    %c0_i32 = arith.constant 0 : i32
    %c0_i32_0 = arith.constant 0 : i32
    return %arg0, %c0_i32 : i32, i32
  }
  func.func @transform_19(%arg0: i32) -> (i32, i32) {
    %c0_i32 = arith.constant 0 : i32
    %c0_i32_0 = arith.constant 0 : i32
    %c0_i32_1 = arith.constant 0 : i32
    return %c0_i32, %c0_i32_0 : i32, i32
  }
  func.func @transform_20(%arg0: i32) -> (i32, i32) {
    %c0_i32 = arith.constant 0 : i32
    %c0_i32_0 = arith.constant 0 : i32
    return %arg0, %c0_i32 : i32, i32
  }
}

module attributes {stable_mosaic.version = 14 : i64} {
  func.func @_edge_body(%arg0: i32, %arg1: memref<2048x128xf32, #tpu.memory_space<vmem>>, %arg2: memref<2048x128xf32, #tpu.memory_space<vmem>>, %arg3: memref<2048x1xi32, #tpu.memory_space<vmem>>, %arg4: memref<2048x2xf32, #tpu.memory_space<vmem>>, %arg5: memref<2048x4xf32, #tpu.memory_space<vmem>>, %arg6: memref<128x128xf32, #tpu.memory_space<vmem>>, %arg7: memref<8x128xf32, #tpu.memory_space<vmem>>, %arg8: memref<128x128xf32, #tpu.memory_space<vmem>>, %arg9: memref<8x128xf32, #tpu.memory_space<vmem>>, %arg10: memref<8x128xf32, #tpu.memory_space<vmem>>, %arg11: memref<2048x4xf32, #tpu.memory_space<vmem>>) attributes {dimension_semantics = [#tpu.dimension_semantics<arbitrary>], iteration_bounds = array<i64: 160>, scalar_prefetch = 0 : i64, scratch_operands = 0 : i64, tpu.core_type = #tpu.core_type<tc>, window_params = [{transform_indices = @transform_0, window_bounds = array<i64: 2048, 128>}, {transform_indices = @transform_1, window_bounds = array<i64: 2048, 128>}, {transform_indices = @transform_2, window_bounds = array<i64: 2048, 1>}, {transform_indices = @transform_3, window_bounds = array<i64: 2048, 2>}, {transform_indices = @transform_4, window_bounds = array<i64: 2048, 4>}, {pipeline_mode = #tpu.pipeline_mode<synchronous>, transform_indices = @transform_5, window_bounds = array<i64: 128, 128>}, {pipeline_mode = #tpu.pipeline_mode<synchronous>, transform_indices = @transform_6, window_bounds = array<i64: 8, 128>}, {pipeline_mode = #tpu.pipeline_mode<synchronous>, transform_indices = @transform_7, window_bounds = array<i64: 128, 128>}, {pipeline_mode = #tpu.pipeline_mode<synchronous>, transform_indices = @transform_8, window_bounds = array<i64: 8, 128>}, {pipeline_mode = #tpu.pipeline_mode<synchronous>, transform_indices = @transform_9, window_bounds = array<i64: 8, 128>}, {transform_indices = @transform_10, window_bounds = array<i64: 2048, 4>}]} {
    %get3A = arith.constant 0 : index
    %get3A_0 = arith.constant 0 : index
    %get3A_1 = vector.load %arg1[%get3A, %get3A_0] : memref<2048x128xf32, #tpu.memory_space<vmem>>, vector<2048x128xf32>
    %get3A_2 = arith.constant 0 : index
    %get3A_3 = arith.constant 0 : index
    %get3A_4 = vector.load %arg2[%get3A_2, %get3A_3] : memref<2048x128xf32, #tpu.memory_space<vmem>>, vector<2048x128xf32>
    %add3A = arith.addf %get3A_1, %get3A_4 : vector<2048x128xf32>
    %iota3A = tpu.iota {dimensions = array<i32: 1>} : vector<2048x128xi32>
    %get3A_5 = arith.constant 0 : index
    %get3A_6 = arith.constant 0 : index
    %get3A_7 = vector.load %arg3[%get3A_5, %get3A_6] : memref<2048x1xi32, #tpu.memory_space<vmem>>, vector<2048x1xi32>
    %eq3A = vector.broadcast %get3A_7 : vector<2048x1xi32> to vector<2048x128xi32>
    %eq3A_8 = arith.cmpi eq, %eq3A, %iota3A : vector<2048x128xi32>
    %convert_element_type3A = arith.extui %eq3A_8 : vector<2048x128xi1> to vector<2048x128xi32>
    %convert_element_type3A_9 = arith.sitofp %convert_element_type3A : vector<2048x128xi32> to vector<2048x128xf32>
    %convert_element_type3A_10 = arith.truncf %convert_element_type3A_9 : vector<2048x128xf32> to vector<2048x128xbf16>
    %get3A_11 = arith.constant 0 : index
    %get3A_12 = arith.constant 0 : index
    %get3A_13 = vector.load %arg6[%get3A_11, %get3A_12] : memref<128x128xf32, #tpu.memory_space<vmem>>, vector<128x128xf32>
    %convert_element_type3A_14 = arith.truncf %get3A_13 : vector<128x128xf32> to vector<128x128xbf16>
    %dot_general3A = arith.constant dense<0.000000e+00> : vector<2048x128xf32>
    %dot_general3A_15 = tpu.matmul %convert_element_type3A_10, %convert_element_type3A_14, %dot_general3A {dimension_numbers = #tpu.dot_dimension_numbers<[1], [0], [0], [1], [0, 0, 1, 1], [], []>, transpose_lhs_hint = false} : vector<2048x128xbf16>, vector<128x128xbf16>, vector<2048x128xf32> -> vector<2048x128xf32>
    %get3A_16 = arith.constant 0 : index
    %get3A_17 = arith.constant 0 : index
    %get3A_18 = vector.load %arg4[%get3A_16, %get3A_17] : memref<2048x2xf32, #tpu.memory_space<vmem>>, vector<2048x2xf32>
    %add3A_19 = arith.addf %add3A, %dot_general3A_15 : vector<2048x128xf32>
    %slice3A = vector.extract_strided_slice %get3A_18 {offsets = [0, 0], sizes = [2048, 1], strides = [1, 1]} : vector<2048x2xf32> to vector<2048x1xf32>
    %get3A_20 = arith.constant 0 : index
    %get3A_21 = arith.constant 0 : index
    %get3A_22 = vector.load %arg7[%get3A_20, %get3A_21] : memref<8x128xf32, #tpu.memory_space<vmem>>, vector<1x128xf32>
    %mul3A = vector.broadcast %slice3A : vector<2048x1xf32> to vector<2048x128xf32>
    %mul3A_23 = vector.broadcast %get3A_22 : vector<1x128xf32> to vector<2048x128xf32>
    %mul3A_24 = arith.mulf %mul3A, %mul3A_23 : vector<2048x128xf32>
    %add3A_25 = arith.addf %add3A_19, %mul3A_24 : vector<2048x128xf32>
    %slice3A_26 = vector.extract_strided_slice %get3A_18 {offsets = [0, 1], sizes = [2048, 1], strides = [1, 1]} : vector<2048x2xf32> to vector<2048x1xf32>
    %get3A_27 = arith.constant 1 : index
    %get3A_28 = arith.constant 0 : index
    %get3A_29 = vector.load %arg7[%get3A_27, %get3A_28] : memref<8x128xf32, #tpu.memory_space<vmem>>, vector<1x128xf32>
    %mul3A_30 = vector.broadcast %slice3A_26 : vector<2048x1xf32> to vector<2048x128xf32>
    %mul3A_31 = vector.broadcast %get3A_29 : vector<1x128xf32> to vector<2048x128xf32>
    %mul3A_32 = arith.mulf %mul3A_30, %mul3A_31 : vector<2048x128xf32>
    %add3A_33 = arith.addf %add3A_25, %mul3A_32 : vector<2048x128xf32>
    %neg3A = arith.constant 0.000000e+00 : f32
    %neg3A_34 = vector.broadcast %neg3A : f32 to vector<2048x128xf32>
    %neg3A_35 = arith.subf %neg3A_34, %add3A_33 : vector<2048x128xf32>
    %exp3A = math.exp %neg3A_35 : vector<2048x128xf32>
    %add3A_36 = arith.constant 1.000000e+00 : f32
    %add3A_37 = vector.broadcast %add3A_36 : f32 to vector<2048x128xf32>
    %add3A_38 = arith.addf %add3A_37, %exp3A : vector<2048x128xf32>
    %div3A = arith.divf %add3A_33, %add3A_38 : vector<2048x128xf32>
    %convert_element_type3A_39 = arith.truncf %div3A : vector<2048x128xf32> to vector<2048x128xbf16>
    %get3A_40 = arith.constant 0 : index
    %get3A_41 = arith.constant 0 : index
    %get3A_42 = vector.load %arg8[%get3A_40, %get3A_41] : memref<128x128xf32, #tpu.memory_space<vmem>>, vector<128x128xf32>
    %convert_element_type3A_43 = arith.truncf %get3A_42 : vector<128x128xf32> to vector<128x128xbf16>
    %dot_general3A_44 = arith.constant dense<0.000000e+00> : vector<2048x128xf32>
    %dot_general3A_45 = tpu.matmul %convert_element_type3A_39, %convert_element_type3A_43, %dot_general3A_44 {dimension_numbers = #tpu.dot_dimension_numbers<[1], [0], [0], [1], [0, 0, 1, 1], [], []>, transpose_lhs_hint = false} : vector<2048x128xbf16>, vector<128x128xbf16>, vector<2048x128xf32> -> vector<2048x128xf32>
    %get3A_46 = arith.constant 0 : index
    %get3A_47 = arith.constant 0 : index
    %get3A_48 = vector.load %arg9[%get3A_46, %get3A_47] : memref<8x128xf32, #tpu.memory_space<vmem>>, vector<1x128xf32>
    %add3A_49 = vector.broadcast %get3A_48 : vector<1x128xf32> to vector<2048x128xf32>
    %add3A_50 = arith.addf %dot_general3A_45, %add3A_49 : vector<2048x128xf32>
    %neg3A_51 = arith.constant 0.000000e+00 : f32
    %neg3A_52 = vector.broadcast %neg3A_51 : f32 to vector<2048x128xf32>
    %neg3A_53 = arith.subf %neg3A_52, %add3A_50 : vector<2048x128xf32>
    %exp3A_54 = math.exp %neg3A_53 : vector<2048x128xf32>
    %add3A_55 = arith.constant 1.000000e+00 : f32
    %add3A_56 = vector.broadcast %add3A_55 : f32 to vector<2048x128xf32>
    %add3A_57 = arith.addf %add3A_56, %exp3A_54 : vector<2048x128xf32>
    %div3A_58 = arith.divf %add3A_50, %add3A_57 : vector<2048x128xf32>
    %get3A_59 = arith.constant 0 : index
    %get3A_60 = arith.constant 0 : index
    %get3A_61 = vector.load %arg10[%get3A_59, %get3A_60] : memref<8x128xf32, #tpu.memory_space<vmem>>, vector<1x128xf32>
    %mul3A_62 = vector.broadcast %get3A_61 : vector<1x128xf32> to vector<2048x128xf32>
    %mul3A_63 = arith.mulf %div3A_58, %mul3A_62 : vector<2048x128xf32>
    %reduce_sum3A = arith.constant dense<0.000000e+00> : vector<2048xf32>
    %reduce_sum3A_64 = vector.multi_reduction <add>, %mul3A_63, %reduce_sum3A [1] : vector<2048x128xf32> to vector<2048xf32>
    %broadcast_in_dim3A = vector.shape_cast %reduce_sum3A_64 : vector<2048xf32> to vector<2048x1xf32>
    %get3A_65 = arith.constant 0 : index
    %get3A_66 = arith.constant 0 : index
    %get3A_67 = vector.load %arg5[%get3A_65, %get3A_66] : memref<2048x4xf32, #tpu.memory_space<vmem>>, vector<2048x4xf32>
    %mul3A_68 = vector.broadcast %broadcast_in_dim3A : vector<2048x1xf32> to vector<2048x4xf32>
    %mul3A_69 = arith.mulf %get3A_67, %mul3A_68 : vector<2048x4xf32>
    %swap3A = arith.constant 0 : index
    %swap3A_70 = arith.constant 0 : index
    %swap3A_71 = vector.load %arg11[%swap3A, %swap3A_70] : memref<2048x4xf32, #tpu.memory_space<vmem>>, vector<2048x4xf32>
    tpu.vector_store %arg11[%swap3A, %swap3A_70], %mul3A_69 {strides = array<i32>} : memref<2048x4xf32, #tpu.memory_space<vmem>>, vector<2048x4xf32>,
    return
  }
  func.func @transform_0(%arg0: i32) -> (i32, i32) {
    %c0_i32 = arith.constant 0 : i32
    %c0_i32_0 = arith.constant 0 : i32
    return %arg0, %c0_i32 : i32, i32
  }
  func.func @transform_1(%arg0: i32) -> (i32, i32) {
    %c0_i32 = arith.constant 0 : i32
    %c0_i32_0 = arith.constant 0 : i32
    return %arg0, %c0_i32 : i32, i32
  }
  func.func @transform_2(%arg0: i32) -> (i32, i32) {
    %c0_i32 = arith.constant 0 : i32
    %c0_i32_0 = arith.constant 0 : i32
    return %arg0, %c0_i32 : i32, i32
  }
  func.func @transform_3(%arg0: i32) -> (i32, i32) {
    %c0_i32 = arith.constant 0 : i32
    %c0_i32_0 = arith.constant 0 : i32
    return %arg0, %c0_i32 : i32, i32
  }
  func.func @transform_4(%arg0: i32) -> (i32, i32) {
    %c0_i32 = arith.constant 0 : i32
    %c0_i32_0 = arith.constant 0 : i32
    return %arg0, %c0_i32 : i32, i32
  }
  func.func @transform_5(%arg0: i32) -> (i32, i32) {
    %c0_i32 = arith.constant 0 : i32
    %c0_i32_0 = arith.constant 0 : i32
    %c0_i32_1 = arith.constant 0 : i32
    return %c0_i32, %c0_i32_0 : i32, i32
  }
  func.func @transform_6(%arg0: i32) -> (i32, i32) {
    %c0_i32 = arith.constant 0 : i32
    %c0_i32_0 = arith.constant 0 : i32
    %c0_i32_1 = arith.constant 0 : i32
    return %c0_i32, %c0_i32_0 : i32, i32
  }
  func.func @transform_7(%arg0: i32) -> (i32, i32) {
    %c0_i32 = arith.constant 0 : i32
    %c0_i32_0 = arith.constant 0 : i32
    %c0_i32_1 = arith.constant 0 : i32
    return %c0_i32, %c0_i32_0 : i32, i32
  }
  func.func @transform_8(%arg0: i32) -> (i32, i32) {
    %c0_i32 = arith.constant 0 : i32
    %c0_i32_0 = arith.constant 0 : i32
    %c0_i32_1 = arith.constant 0 : i32
    return %c0_i32, %c0_i32_0 : i32, i32
  }
  func.func @transform_9(%arg0: i32) -> (i32, i32) {
    %c0_i32 = arith.constant 0 : i32
    %c0_i32_0 = arith.constant 0 : i32
    %c0_i32_1 = arith.constant 0 : i32
    return %c0_i32, %c0_i32_0 : i32, i32
  }
  func.func @transform_10(%arg0: i32) -> (i32, i32) {
    %c0_i32 = arith.constant 0 : i32
    %c0_i32_0 = arith.constant 0 : i32
    return %arg0, %c0_i32 : i32, i32
  }
}

module attributes {stable_mosaic.version = 14 : i64} {
  func.func @_final_body(%arg0: memref<32x8x5120xf32, #tpu.memory_space<vmem>>, %arg1: memref<8x5120xf32, #tpu.memory_space<vmem>>, %arg2: memref<8x5120xf32, #tpu.memory_space<vmem>>) attributes {dimension_semantics = [], scalar_prefetch = 0 : i64, scratch_operands = 0 : i64, tpu.core_type = #tpu.core_type<tc>} {
    %get3A = arith.constant 0 : index
    %get3A_0 = arith.constant 0 : index
    %get3A_1 = arith.constant 0 : index
    %get3A_2 = vector.load %arg0[%get3A, %get3A_0, %get3A_1] : memref<32x8x5120xf32, #tpu.memory_space<vmem>>, vector<32x8x5120xf32>
    %reduce_sum3A = arith.constant dense<0.000000e+00> : vector<8x5120xf32>
    %reduce_sum3A_3 = vector.multi_reduction <add>, %get3A_2, %reduce_sum3A [0] : vector<32x8x5120xf32> to vector<8x5120xf32>
    %mul3A = arith.constant 0.00999999977 : f32
    %mul3A_4 = vector.broadcast %mul3A : f32 to vector<8x5120xf32>
    %mul3A_5 = arith.mulf %reduce_sum3A_3, %mul3A_4 : vector<8x5120xf32>
    %get3A_6 = arith.constant 0 : index
    %get3A_7 = arith.constant 0 : index
    %get3A_8 = vector.load %arg1[%get3A_6, %get3A_7] : memref<8x5120xf32, #tpu.memory_space<vmem>>, vector<8x5120xf32>
    %add3A = arith.addf %get3A_8, %mul3A_5 : vector<8x5120xf32>
    %swap3A = arith.constant 0 : index
    %swap3A_9 = arith.constant 0 : index
    %swap3A_10 = vector.load %arg2[%swap3A, %swap3A_9] : memref<8x5120xf32, #tpu.memory_space<vmem>>, vector<8x5120xf32>
    tpu.vector_store %arg2[%swap3A, %swap3A_9], %add3A {strides = array<i32>} : memref<8x5120xf32, #tpu.memory_space<vmem>>, vector<8x5120xf32>,
    return
  }
}

</mosaic_0001>

<sc_bundles>
// kernel: kernel.10.cloned.1.call-start
scs
__scs_entry_jumppad:
0x0: {  	(pc) =	sbr.rel $0x88, $3  }
0x1: {  	(tag) =	ssettag $0x0;
	lr =	simm.s32 $0x1  }
0x2: {  	[smem:$0x3F8D] =	sst lr;
	_ =	strace $0xD0000000  }
0x3: {  	_ = 	snop  }
0x4: {  	_ = 	snop  }
0x5: {  	_ = 	snop  }
0x6: {  	_ = 	snop  }
0x7: {  	_ = 	snop  }
__scs_overlays_trampoline_lowered:
0x8: {  	[smem:$0x3F9C] =	sst s0  }
0x9: {  	[smem:$0x3F9D] =	sst s1  }
0xa: {  	[smem:$0x3F9E] =	sst s2  }
0xb: {  	[smem:$0x3F9F] =	sst s3  }
0xc: {  	[smem:$0x3FA0] =	sst s4  }
0xd: {  	[smem:$0x3FA1] =	sst s5  }
0xe: {  	[smem:$0x3FA2] =	sst s6  }
0xf: {  	[smem:$0x3FA3] =	sst s7  }
0x10: {  	[smem:$0x3FA4] =	sst s8  }
0x11: {  	[smem:$0x3FA5] =	sst s9;
	s0 =	simm.s32 @!p0 $0x0  }
0x12: {  	s1 =	sld [smem:$0x3F8B];
	s0 =	simm.s32 @p0 $0x1  }
0x13: {  	[smem:$0x3FA6] =	sst s0;
	s0 =	simm.s32 @!p1 $0x0  }
0x14: {  	s2 =	sld [smem:$0x3F8A];
	s0 =	simm.s32 @p1 $0x1  }
0x15: {  	[smem:$0x3FA7] =	sst s0;
	s0 =	simm.s32 @!p2 $0x0  }
0x16: {  	s3 =	sld [smem:$0x3FDB];
	s0 =	simm.s32 @p2 $0x1  }
0x17: {  	s4 =	simm.s32 $0x1BF5;
	[smem:$0x3FA9] =	sst s0  }
0x18: {  	s0 =	sld [smem:$0x3F8C];
	_ =	swait.ge [sflag:s4], $0x0  }
0x19: {  	s7 =	sld [smem:$0x3F8D]  }
0x1a: {  	s8 =	sadd.s32 $0xFFFFE003, lr  }
0x1b: {  	s9 =	sadd.s32 $0xFFFFFEF7, lr;
	s5 =	simm.s32 $0xFFFFFFFF;
	p2 =	slt.u32 s8, $0xFFFFF086  }
0x1c: {  	p1 =	slt.u32 s9, $0xF7A;
	s5 =	simm.s32 @!p2 $0x0  }
0x1d: {  	s5 =	simm.s32 @p1 $0x1;
	p0 =	seq.s32 s7, s2  }
0x1e: {  	s7 =	smul.u32 @!p0 $0xF7A, s2;
	p2 =	seq.s32 @!p0 s5, $0x0  }
0x1f: {  	s9 =	smul.u32 $0xF7A, s1;
	s8 =	simm.s32 @!p0 $0x1BF5;
	p2 =	por !p2, p0  }
0x20: {  	[sflag:s8] =	ssyncset.s32 @!p0 $0xFFFFF086;
	s6 =	sadd.s32 @!p0 s3, s7;
	s7 =	simm.s32 @!p0 $0x108  }
0x21: {  	s3 =	sadd.s32 s3, s9;
	s6 =	sadd.s32 @!p0 $0x88, s6;
	s7 =	simm.s32 @p2 $0x1082  }
0x22: {  	[simem:s7], [sflag:s8] =	dma.local @!p0 [hbm:s6], $0xF7A  }
0x23: {  	s9 =	sor.u32 $0xD0000000, s2;
	s6 =	simm.s32 $0x108;
	_ =	swait.ge @!p0 [sflag:s8], $0x0  }
0x24: {  	s3 =	sadd.s32 $0x88, s3;
	s6 =	simm.s32 @!p1 $0x1082;
	[sflag:s4] =	ssyncset.s32 $0xFFFFF086  }
0x25: {  	[simem:s6], [sflag:s4] =	dma.local [hbm:s3], $0xF7A  }
0x26: {  	[smem:$0x3F8D] =	sst s1;
	(tag) =	ssettag s2;
	_ =	strace s9  }
0x27: {  	s1 =	sld [smem:$0x3F9D]  }
0x28: {  	s2 =	sld [smem:$0x3F9E]  }
0x29: {  	s4 =	sld [smem:$0x3FA0]  }
0x2a: {  	p0 =	seq.s32 s5, $0x0;
	s5 =	sld [smem:$0x3FA1]  }
0x2b: {  	s6 =	sld [smem:$0x3FA2]  }
0x2c: {  	s7 =	sld [smem:$0x3FA3]  }
0x2d: {  	s3 =	simm.s32 $0x108;
	s8 =	sld [smem:$0x3FA4]  }
0x2e: {  	s3 =	simm.s32 @!p0 $0x1082;
	s9 =	sld [smem:$0x3FA5]  }
0x2f: {  	lr =	sadd.s32 s0, s3;
	s0 =	sld [smem:$0x3F9C]  }
0x30: {  	s3 =	sld [smem:$0x3F9F]  }
0x31: {  	[smem:$0x3FA8] =	sst s10  }
0x32: {  	s10 =	sld [smem:$0x3FA6];
	_ =	sdelay $0x3  }
0x33: {  	p0 =	seq.s32 s10, $0x1;
	s10 =	sld [smem:$0x3FA8];
	_ =	sdelay $0x3  }
0x34: {  	[smem:$0x3FA8] =	sst s10  }
0x35: {  	s10 =	sld [smem:$0x3FA7];
	_ =	sdelay $0x3  }
0x36: {  	p1 =	seq.s32 s10, $0x1;
	s10 =	sld [smem:$0x3FA8];
	_ =	sdelay $0x3  }
0x37: {  	[smem:$0x3FA8] =	sst s10  }
0x38: {  	s10 =	sld [smem:$0x3FA9]  }
0x39: {  	_ = 	snop;
	(pc) =	sbr.ind lr, $3  }
0x3a: {  	_ = 	snop  }
0x3b: {  	_ = 	snop  }
0x3c: {  	p2 =	seq.s32 s10, $0x1;
	s10 =	sld [smem:$0x3FA8]  }
0x3d: {  	_ =	shalt  }
0x3e: {  	_ =	shalt  }
0x3f: {  	_ =	shalt  }
0x40: {  	_ =	shalt  }
0x41: {  	_ =	shalt  }
0x42: {  	_ =	shalt  }
0x43: {  	_ =	shalt  }
0x44: {  	_ =	shalt  }
0x45: {  	_ =	shalt  }
0x46: {  	_ =	shalt  }
0x47: {  	_ =	shalt  }
0x48: {  	_ =	shalt  }
0x49: {  	_ =	shalt  }
0x4a: {  	_ =	shalt  }
0x4b: {  	_ =	shalt  }
0x4c: {  	_ =	shalt  }
0x4d: {  	_ =	shalt  }
0x4e: {  	_ =	shalt  }
0x4f: {  	_ =	shalt  }
0x50: {  	_ =	shalt  }
0x51: {  	_ =	shalt  }
0x52: {  	_ =	shalt  }
0x53: {  	_ =	shalt  }
0x54: {  	_ =	shalt  }
0x55: {  	_ =	shalt  }
0x56: {  	_ =	shalt  }
0x57: {  	_ =	shalt  }
0x58: {  	_ =	shalt  }
0x59: {  	_ =	shalt  }
0x5a: {  	_ =	shalt  }
0x5b: {  	_ =	shalt  }
0x5c: {  	_ =	shalt  }
0x5d: {  	_ =	shalt  }
0x5e: {  	_ =	shalt  }
0x5f: {  	_ =	shalt  }
0x60: {  	_ =	shalt  }
0x61: {  	_ =	shalt  }
0x62: {  	_ =	shalt  }
0x63: {  	_ =	shalt  }
0x64: {  	_ =	shalt  }
0x65: {  	_ =	shalt  }
0x66: {  	_ =	shalt  }
0x67: {  	_ =	shalt  }
0x68: {  	_ =	shalt  }
0x69: {  	_ =	shalt  }
0x6a: {  	_ =	shalt  }
0x6b: {  	_ =	shalt  }
0x6c: {  	_ =	shalt  }
0x6d: {  	_ =	shalt  }
0x6e: {  	_ =	shalt  }
0x6f: {  	_ =	shalt  }
0x70: {  	_ =	shalt  }
0x71: {  	_ =	shalt  }
0x72: {  	_ =	shalt  }
0x73: {  	_ =	shalt  }
0x74: {  	_ =	shalt  }
0x75: {  	_ =	shalt  }
0x76: {  	_ =	shalt  }
0x77: {  	_ =	shalt  }
0x78: {  	_ =	shalt  }
0x79: {  	_ =	shalt  }
0x7a: {  	_ =	shalt  }
0x7b: {  	_ =	shalt  }
0x7c: {  	_ =	shalt  }
0x7d: {  	_ =	shalt  }
0x7e: {  	_ =	shalt  }
0x7f: {  	_ =	shalt  }
0x80: {  	_ =	shalt  }
0x81: {  	_ =	shalt  }
0x82: {  	_ =	shalt  }
0x83: {  	_ =	shalt  }
0x84: {  	_ =	shalt  }
0x85: {  	_ =	shalt  }
0x86: {  	_ =	shalt  }
0x87: {  	_ =	shalt  }
.Lfunc_end0:
.L_simem_size_0:
called_computation.1_lowered:
.L_overlay_start_0:
0x88: {  	s2 =	sld [smem:$0x3FD9]  }
0x89: {  	s3 =	sld [smem:$0x3FFE];
	_ =	sdelay $0x1  }
0x8a: {  	s1 =	srdreg.scid  }
0x8b: {  	s0 =	sand.u32 $0x1, s1  }
0x8c: {  	s16 =	sshll.u32 s0, $0xA;
	s2 =	sadd.s32 s3, s2  }
0x8d: {  	s2 =	sadd.s32 s2, s16  }
0x8e: {  	[smem:$0x3FB4] =	sst s2  }
0x8f: {  	_ = 	snop  }
0x90: {  	(tm) =	ssettm $0x1  }
0x91: {  	s17 =	sld [smem:$0x3FFB];
	_ =	sdelay $0x3  }
0x92: {  	_ =	strace s17  }
0x93: {  	s2 =	sld [smem:$0x3FFC];
	_ =	sdelay $0x3  }
0x94: {  	_ =	strace s2  }
0x95: {  	s2 =	sld [smem:$0x3FFD];
	_ =	sdelay $0x3  }
0x96: {  	_ =	strace s2  }
0x97: {  	_ =	strace $0x8FFFFFFF  }
0x98: {  	s18 =	sld [smem:$0x3FDB];
	_ =	sdelay $0x1  }
0x99: {  	s19 =	simm.s32 $_scs_section_size  }
0x9a: {  	s4 =	simm.s32 $_size__tile_overlayer_lowered;
	s5 =	simm.s32 $_tile_overlayer_lowered  }
0x9b: {  	s22 =	simm.s32 $0x1BFF;
	s21 =	sshll.u32 s5, $0x1;
	s2 =	sadd.s32 s19, s18  }
0x9c: {  	s6 =	simm.s32 $0x0;
	s20 =	sshll.u32 s4, $0x1;
	s4 =	sadd.s32 s21, s2  }
0x9d: {  	[timem:s6], [sflag:s22] =	dma.local [hbm:s4], s20  }
0x9e: {  	_ =	swait.ge [sflag:s22], s20  }
0x9f: {  	s3 =	ssub.s32 $0x0, s20;
	[sflag:s22] =	ssyncset.done $0x0  }
0xa0: {  	[sflag:s22] =	ssyncadd.s32 s3;
	_ =	sdelay $0x1  }
0xa1: {  	s23 =	simm.s32 $0x1B8B  }
0xa2: {  	_ =	swait.ge [sflag:s23], $0x1  }
0xa3: {  	[sflag:s23] =	ssyncset.done $0x0  }
0xa4: {  	s25 =	simm.s32 $0x1B8E;
	s24 =	sld [smem:$0x3FFE];
	[sflag:s23] =	ssyncadd.s32 $0xFFFFFFFF  }
0xa5: {  	s26 =	simm.s32 $execute0_lowered;
	[smem:$0x3FD2] =	sst s25  }
0xa6: {  	s4 =	sshll.u32 s26, $0x1;
	_ =	strace $0x80000049;
	[dreg:$0x1] =	wrdreg $0xFFFFFFFF  }
0xa7: {  	s28 =	simm.s32 $_size_execute0_lowered;
	s2 =	sadd.s32 s2, s4;
	[dreg:$0x0] =	wrdreg $0x0  }
0xa8: {  	s4 =	sshll.u32 s28, $0x1;
	[dreg:$0x2] =	wrdreg s2  }
0xa9: {  	[dreg:$0x3] =	wrdreg s4  }
0xaa: {  	[dreg:$0x4] =	wrdreg $0xC0  }
0xab: {  	_ =	task [dreg:s6], $0x5FFFF  }
0xac: {  	[dreg:$0x1] =	wrdreg $0xFFFFFFFF  }
0xad: {  	[dreg:$0x0] =	wrdreg $0x60  }
0xae: {  	[dreg:$0x2] =	wrdreg s24  }
0xaf: {  	[dreg:$0x3] =	wrdreg $0x9  }
0xb0: {  	_ =	task.clear_ibuf [dreg:s6], $0x4FFFF;
	_ =	strace $0x90000049  }
0xb1: {  	s29 =	simm.s32 $0x9;
	_ =	strace $0x8000004B  }
0xb2: {  	_ =	swait.ge [sflag:s29], $0x1  }
0xb3: {  	[sflag:s29] =	ssyncadd.s32 $0xFFFFFFFF  }
0xb4: {  	_ =	strace $0x9000004B  }
0xb5: {  	_ =	sfence  }
0xb6: {  	s30 =	sld [smem:$0x0];
	_ =	sdelay $0x2  }
0xb7: {  	s31 =	sshll.u32 s1, $0xD;
	s1 =	sshrl.u32 s1, $0x2  }
0xb8: {  	s3 =	sand.u32 $0x4000, s31;
	s1 =	sadd.s32 s1, s30  }
0xb9: {  	s0 =	sor.u32 s3, s0;
	s1 =	sshll.u32 s1, $0x11  }
0xba: {  	s0 =	sor.u32 s1, s0  }
0xbb: {  	s0 =	sadd.s32 $0x8F2B, s0  }
0xbc: {  	[sflag:s0] =	ssyncadd.remote.s32 $0x1  }
0xbd: {  	_ =	sfence.sel $0xFFFF  }
0xbe: {  	[dreg:$0x0] =	wrdreg $0xFFFFFFFF;
	(pc) =	sbr.abs _section_cstart, $3  }
0xbf: {  	[dreg:$0x1] =	wrdreg $0xFFFFFFFF  }
0xc0: {  	_ =	task.clear_ibuf [dreg:s6], $0x2FFFF;
	_ =	strace $0x9FFFFFFF  }
0xc1: {  	(tm) =	ssettm $0x7FFFFFFF  }
tec
execute0_lowered:
.L_overlay_start_1:
0x0: {  	(tag) =	ssettag $0x1  }
0x1: {  	s5 =	rddreg [dreg:$0x0]  }
0x2: {  	s0 =	rddreg [dreg:$0x1];
	s3 =	srdreg.scid  }
0x3: {  	s1 =	stileid.u32;
	s2 =	simm.s32 $0x0;
	s10 =	simm.s32 $0x3400  }
0x4: {  	s11 =	simm.s32 $0x0;
	s3 =	sand.u32 $0x1, s3;
	s4 =	sshll.u32 s1, $0x1  }
0x5: {  	[smem:$0x7FF] =	sst s2;
	s6 =	sor.u32 s3, s4;
	s8 =	ssub.s32 $0x2, s3  }
0x6: {  	_ =	strace $0x8000004A;
	s7 =	smul.u32 $0x1400, s6;
	s9 =	sshrl.u32 s8, $0x1  }
0x7: {  	s3 =	sadd.s32 $0x5400, s5;
	s4 =	sadd.s32 $0xA91400, s5;
	s8 =	ssub.s32 s8, s9  }
0x8: {  	v1 =	vlaneseq.u32;
	s9 =	simm.s32 $0x1;
	s7 =	sadd.s32 s7, s5;
	s5 =	sshll.u32 s6, $0x2  }
0x9: {  	v0 =	vimm.f32 $0.0e+00;
	v1 =	vmul.u32 $0x4, v1;
	s6 =	sadd.s32 $0x2D400, s7;
	s7 =	smax.u32 s8, $0x1;
	s8 =	simm.s32 $0xC00  }
.LBB2_1:
0xa: {  	s13 =	simm.s32 $0x70;
	s12 =	simm.s32 $0x3C0  }
.LBB2_2:
0xb: {  	p0 =	sne.s32 s12, $0x27FC0;
	[tilespmem:s13+$0x3400] =	vst v0  }
0xc: {  	[tilespmem:s13+$0x3390] =	vst v0  }
0xd: {  	[tilespmem:s13+$0x33A0] =	vst v0  }
.Ltmp0:
0xe: {  	[tilespmem:s13+$0x33B0] =	vst v0;
	(pc) =	sbr.rel @p0 .LBB2_2-.Ltmp0, $4  }
0xf: {  	[tilespmem:s13+$0x33C0] =	vst v0  }
0x10: {  	[tilespmem:s13+$0x33D0] =	vst v0  }
0x11: {  	[tilespmem:s13+$0x33E0] =	vst v0  }
0x12: {  	[tilespmem:s13+$0x33F0] =	vst v0;
	s13 =	sshra.s32 s12, $0x2;
	s12 =	sadd.s32 $0x200, s12  }
0x13: {  	[tilespmem:s13+$0x3400] =	vst v0  }
0x14: {  	[tilespmem:s13+$0x3390] =	vst v0  }
0x15: {  	[tilespmem:s13+$0x33A0] =	vst v0  }
0x16: {  	[tilespmem:s13+$0x33B0] =	vst v0  }
0x17: {  	[tilespmem:s13+$0x33C0] =	vst v0  }
0x18: {  	[tilespmem:s13+$0x33D0] =	vst v0  }
0x19: {  	[tilespmem:s13+$0x33E0] =	vst v0  }
0x1a: {  	s12 =	simm.s32 $0x0;
	[tilespmem:s13+$0x33F0] =	vst v0;
	s13 =	simm.s32 $0x0  }
.LBB2_4:
0x1b: {  	s14 =	sadd.s32 s5, s13  }
0x1c: {  	s15 =	smul.u32 $0x500, s14;
	_ =	sdelay $0x1  }
0x1d: {  	s15 =	sadd.s32 s3, s15  }
0x1e: {  	[tilespmem:s8], [sflag:$0x1] =	stream.linear.gather [hbm4b:s15+s12], $0x2800, $0x38;
	[tilespmem:$0xD400] =	vst v63  }
0x1f: {  	s14 =	smul.u32 $0x180, s14;
	_ =	swait.ge [sflag:s9], $0x2800  }
0x20: {  	[sflag:s9] =	ssyncset.done $0x0  }
0x21: {  	s14 =	sadd.s32 s4, s14;
	[sflag:s9] =	ssyncadd.s32 $0xFFFFD800  }
0x22: {  	[tilespmem:s12], [sflag:$0x1] =	stream.linear.gather [hbm4b:s14+s12], $0xA00, $0x38;
	[tilespmem:$0xD400] =	vst v63  }
0x23: {  	_ =	swait.ge [sflag:s9], $0xA00  }
0x24: {  	[sflag:s9] =	ssyncset.done $0x0  }
0x25: {  	s29 =	sand.u32 $0xFF0, s12;
	[sflag:s9] =	ssyncadd.s32 $0xFFFFF600  }
0x26: {  	v2 =	vor.u32 s12, v1;
	v3 =	vld [tilespmem:s29+$0x0];
	_ =	sdelay $0x4  }
0x27: {  	s30 =	simm.s32 $0x1;
	v2 =	vld.idx.msk [tilespmem:v2+s8+$0x0], $0xffff;
	v3 =	vshll.u32 v3, $0x2  }
0x28: {  	v4 =	vor.u32 s30, v1;
	_ =	sdelay $0x3  }
0x29: {  	[tilespmem:v3+s10+$0x0] =	vst.idx.add.f32.msk $0xffff, v2  }
0x2a: {  	s31 =	simm.s32 $0x2;
	v2 =	vld.idx.msk [tilespmem:v4+s8+$0x0], $0xffff;
	v4 =	vor.u32 $0x1, v3  }
0x2b: {  	v5 =	vor.u32 s31, v1;
	_ =	sdelay $0x3  }
0x2c: {  	[tilespmem:v4+s10+$0x0] =	vst.idx.add.f32.msk $0xffff, v2  }
0x2d: {  	v2 =	vor.u32 $0x2, v3;
	v3 =	vld.idx.msk [tilespmem:v5+s8+$0x0], $0xffff;
	_ =	sdelay $0x2  }
0x2e: {  	s16 =	simm.s32 $0x10;
	s15 =	simm.s32 $0x20;
	s14 =	simm.s32 $0x40  }
.LBB2_5:
0x2f: {  	p0 =	sne.s32 s15, $0x9F0  }
0x30: {  	s17 =	sand.u32 $0xFF0, s16;
	v4 =	vor.u32 s14, v1;
	[tilespmem:v2+s10+$0x0] =	vst.idx.add.f32.msk $0xffff, v3;
	s16 =	smov.u32 s15;
	s15 =	sadd.s32 $0x10, s15  }
0x31: {  	v2 =	vld [tilespmem:s17+$0x0];
	_ =	sdelay $0x3  }
0x32: {  	v3 =	vld.idx.msk [tilespmem:v4+s8+$0x0], $0xffff  }
0x33: {  	s17 =	sadd.s32 $0x1, s14;
	v4 =	vshll.u32 v2, $0x2  }
0x34: {  	v5 =	vor.u32 s17, v1;
	v2 =	vor.u32 $0x2, v4;
	_ =	sdelay $0x3  }
0x35: {  	[tilespmem:v4+s10+$0x0] =	vst.idx.add.f32.msk $0xffff, v3  }
0x36: {  	v3 =	vld.idx.msk [tilespmem:v5+s8+$0x0], $0xffff  }
0x37: {  	s17 =	sadd.s32 $0x2, s14;
	v4 =	vor.u32 $0x1, v4  }
0x38: {  	v5 =	vor.u32 s17, v1;
	_ =	sdelay $0x3  }
0x39: {  	[tilespmem:v4+s10+$0x0] =	vst.idx.add.f32.msk $0xffff, v3  }
0x3a: {  	v3 =	vld.idx.msk [tilespmem:v5+s8+$0x0], $0xffff  }
.Ltmp1:
0x3b: {  	(pc) =	sbr.rel @p0 .LBB2_5-.Ltmp1, $2  }
0x3c: {  	_ =	sdelay $0x2  }
0x3d: {  	s14 =	sadd.s32 $0x40, s14  }
0x3e: {  	_ =	sdelay $0x3  }
0x3f: {  	s15 =	sand.u32 $0xFF0, s16;
	[tilespmem:v2+s10+$0x0] =	vst.idx.add.f32.msk $0xffff, v3  }
0x40: {  	v2 =	vor.u32 s14, v1;
	v3 =	vld [tilespmem:s15+$0x0];
	_ =	sdelay $0x4  }
0x41: {  	s30 =	sadd.s32 $0x1, s14;
	v2 =	vld.idx.msk [tilespmem:v2+s8+$0x0], $0xffff;
	v3 =	vshll.u32 v3, $0x2  }
0x42: {  	v4 =	vor.u32 s30, v1;
	_ =	sdelay $0x3  }
0x43: {  	[tilespmem:v3+s10+$0x0] =	vst.idx.add.f32.msk $0xffff, v2  }
0x44: {  	s31 =	sadd.s32 $0x2, s14;
	v63 =	vor.u32 $0x1, v3;
	v2 =	vld.idx.msk [tilespmem:v4+s8+$0x0], $0xffff  }
0x45: {  	v5 =	vor.u32 s31, v1;
	_ =	sdelay $0x3  }
0x46: {  	s13 =	sadd.s32 $0x1, s13;
	[tilespmem:v63+s10+$0x0] =	vst.idx.add.f32.msk $0xffff, v2  }
0x47: {  	p0 =	sne.s32 s13, $0x4;
	v2 =	vor.u32 $0x2, v3;
	v3 =	vld.idx.msk [tilespmem:v5+s8+$0x0], $0xffff  }
.Ltmp2:
0x48: {  	_ = 	snop;
	(pc) =	sbr.rel @p0 .LBB2_4-.Ltmp2, $2  }
0x49: {  	_ =	sdelay $0x2  }
0x4a: {  	[tilespmem:v2+s10+$0x0] =	vst.idx.add.f32.msk $0xffff, v3  }
0x4b: {  	s11 =	sadd.s32 $0x1, s11  }
0x4c: {  	p0 =	sne.s32 s11, s7  }
.Ltmp3:
0x4d: {  	_ = 	snop;
	(pc) =	sbr.rel @p0 .LBB2_1-.Ltmp3, $4  }
0x4e: {  	[hbm4b:s6+s2] =	stream.linear.scatter [tilespmem:s10], [sflag:$0x1], $0xA000, $0x38;
	[tilespmem:$0xD400] =	vst v63  }
0x4f: {  	_ =	swait.ge [sflag:s9], $0xA000  }
0x50: {  	[sflag:s9] =	ssyncset.done $0x0  }
0x51: {  	[sflag:s9] =	ssyncadd.s32 $0xFFFF6000  }
0x52: {  	_ =	sfence.sel $0x180000  }
0x53: {  	[bflag:$0x0] =	sbarrier.arrive $0xFFFF  }
0x54: {  	p0 =	sne.s32 s1, $0x0;
	_ =	strace $0x9000004A  }
0x55: {  	s0 =	sadd.s32 @!p0 $0x100000, s0;
	[bflag:$0x2] =	sbarrier.arrive $0xFFFF  }
0x56: {  	[sflag:s0] =	ssyncadd.tile.s32 @!p0 $0x1;
	_ =	shalt  }
.Lfunc_end2:
_tile_overlayer_lowered:
.L_overlay_start_2:
0x57: {  	(tag) =	ssettag $0x2  }
0x58: {  	s0 =	rddreg [dreg:$0x0];
	s2 =	stileid.u32  }
0x59: {  	s1 =	rddreg [dreg:$0x1];
	p0 =	sne.s32 s2, $0x0  }
0x5a: {  	s3 =	rddreg [dreg:$0x2];
	[bflag:$0x3] =	sbarrier.arrive $0xFFFF;
	s2 =	simm.s32 @!p0 $0x1C02  }
0x5b: {  	[timem:s3], [sflag:s2] =	dma.local @!p0 [hbm:s0], s1  }
0x5c: {  	s0 =	simm.s32 @!p0 $0x2  }
0x5d: {  	_ =	swait.ge @!p0 [sflag:s0], s1  }
0x5e: {  	s1 =	ssub.s32 @!p0 $0x0, s1;
	[sflag:s0] =	ssyncset.done @!p0 $0x0  }
0x5f: {  	[sflag:s0] =	ssyncadd.s32 @!p0 s1  }
0x60: {  	[bflag:$0x3] =	sbarrier.arrive $0xFFFF  }
0x61: {  	_ =	shalt  }

// kernel: kernel.7.cloned.1.call-start
scs
__scs_entry_jumppad:
0x0: {  	(pc) =	sbr.rel $0x88, $3  }
0x1: {  	(tag) =	ssettag $0x0;
	lr =	simm.s32 $0x1  }
0x2: {  	[smem:$0x3F8D] =	sst lr;
	_ =	strace $0xD0000000  }
0x3: {  	_ = 	snop  }
0x4: {  	_ = 	snop  }
0x5: {  	_ = 	snop  }
0x6: {  	_ = 	snop  }
0x7: {  	_ = 	snop  }
__scs_overlays_trampoline_lowered:
0x8: {  	[smem:$0x3F9C] =	sst s0  }
0x9: {  	[smem:$0x3F9D] =	sst s1  }
0xa: {  	[smem:$0x3F9E] =	sst s2  }
0xb: {  	[smem:$0x3F9F] =	sst s3  }
0xc: {  	[smem:$0x3FA0] =	sst s4  }
0xd: {  	[smem:$0x3FA1] =	sst s5  }
0xe: {  	[smem:$0x3FA2] =	sst s6  }
0xf: {  	[smem:$0x3FA3] =	sst s7  }
0x10: {  	[smem:$0x3FA4] =	sst s8  }
0x11: {  	[smem:$0x3FA5] =	sst s9;
	s0 =	simm.s32 @!p0 $0x0  }
0x12: {  	s1 =	sld [smem:$0x3F8B];
	s0 =	simm.s32 @p0 $0x1  }
0x13: {  	[smem:$0x3FA6] =	sst s0;
	s0 =	simm.s32 @!p1 $0x0  }
0x14: {  	s2 =	sld [smem:$0x3F8A];
	s0 =	simm.s32 @p1 $0x1  }
0x15: {  	[smem:$0x3FA7] =	sst s0;
	s0 =	simm.s32 @!p2 $0x0  }
0x16: {  	s3 =	sld [smem:$0x3FDB];
	s0 =	simm.s32 @p2 $0x1  }
0x17: {  	s4 =	simm.s32 $0x1BF5;
	[smem:$0x3FA9] =	sst s0  }
0x18: {  	s0 =	sld [smem:$0x3F8C];
	_ =	swait.ge [sflag:s4], $0x0  }
0x19: {  	s7 =	sld [smem:$0x3F8D]  }
0x1a: {  	s8 =	sadd.s32 $0xFFFFE003, lr  }
0x1b: {  	s9 =	sadd.s32 $0xFFFFFEF7, lr;
	s5 =	simm.s32 $0xFFFFFFFF;
	p2 =	slt.u32 s8, $0xFFFFF086  }
0x1c: {  	p1 =	slt.u32 s9, $0xF7A;
	s5 =	simm.s32 @!p2 $0x0  }
0x1d: {  	s5 =	simm.s32 @p1 $0x1;
	p0 =	seq.s32 s7, s2  }
0x1e: {  	s7 =	smul.u32 @!p0 $0xF7A, s2;
	p2 =	seq.s32 @!p0 s5, $0x0  }
0x1f: {  	s9 =	smul.u32 $0xF7A, s1;
	s8 =	simm.s32 @!p0 $0x1BF5;
	p2 =	por !p2, p0  }
0x20: {  	[sflag:s8] =	ssyncset.s32 @!p0 $0xFFFFF086;
	s6 =	sadd.s32 @!p0 s3, s7;
	s7 =	simm.s32 @!p0 $0x108  }
0x21: {  	s3 =	sadd.s32 s3, s9;
	s6 =	sadd.s32 @!p0 $0x88, s6;
	s7 =	simm.s32 @p2 $0x1082  }
0x22: {  	[simem:s7], [sflag:s8] =	dma.local @!p0 [hbm:s6], $0xF7A  }
0x23: {  	s9 =	sor.u32 $0xD0000000, s2;
	s6 =	simm.s32 $0x108;
	_ =	swait.ge @!p0 [sflag:s8], $0x0  }
0x24: {  	s3 =	sadd.s32 $0x88, s3;
	s6 =	simm.s32 @!p1 $0x1082;
	[sflag:s4] =	ssyncset.s32 $0xFFFFF086  }
0x25: {  	[simem:s6], [sflag:s4] =	dma.local [hbm:s3], $0xF7A  }
0x26: {  	[smem:$0x3F8D] =	sst s1;
	(tag) =	ssettag s2;
	_ =	strace s9  }
0x27: {  	s1 =	sld [smem:$0x3F9D]  }
0x28: {  	s2 =	sld [smem:$0x3F9E]  }
0x29: {  	s4 =	sld [smem:$0x3FA0]  }
0x2a: {  	p0 =	seq.s32 s5, $0x0;
	s5 =	sld [smem:$0x3FA1]  }
0x2b: {  	s6 =	sld [smem:$0x3FA2]  }
0x2c: {  	s7 =	sld [smem:$0x3FA3]  }
0x2d: {  	s3 =	simm.s32 $0x108;
	s8 =	sld [smem:$0x3FA4]  }
0x2e: {  	s3 =	simm.s32 @!p0 $0x1082;
	s9 =	sld [smem:$0x3FA5]  }
0x2f: {  	lr =	sadd.s32 s0, s3;
	s0 =	sld [smem:$0x3F9C]  }
0x30: {  	s3 =	sld [smem:$0x3F9F]  }
0x31: {  	[smem:$0x3FA8] =	sst s10  }
0x32: {  	s10 =	sld [smem:$0x3FA6];
	_ =	sdelay $0x3  }
0x33: {  	p0 =	seq.s32 s10, $0x1;
	s10 =	sld [smem:$0x3FA8];
	_ =	sdelay $0x3  }
0x34: {  	[smem:$0x3FA8] =	sst s10  }
0x35: {  	s10 =	sld [smem:$0x3FA7];
	_ =	sdelay $0x3  }
0x36: {  	p1 =	seq.s32 s10, $0x1;
	s10 =	sld [smem:$0x3FA8];
	_ =	sdelay $0x3  }
0x37: {  	[smem:$0x3FA8] =	sst s10  }
0x38: {  	s10 =	sld [smem:$0x3FA9]  }
0x39: {  	_ = 	snop;
	(pc) =	sbr.ind lr, $3  }
0x3a: {  	_ = 	snop  }
0x3b: {  	_ = 	snop  }
0x3c: {  	p2 =	seq.s32 s10, $0x1;
	s10 =	sld [smem:$0x3FA8]  }
0x3d: {  	_ =	shalt  }
0x3e: {  	_ =	shalt  }
0x3f: {  	_ =	shalt  }
0x40: {  	_ =	shalt  }
0x41: {  	_ =	shalt  }
0x42: {  	_ =	shalt  }
0x43: {  	_ =	shalt  }
0x44: {  	_ =	shalt  }
0x45: {  	_ =	shalt  }
0x46: {  	_ =	shalt  }
0x47: {  	_ =	shalt  }
0x48: {  	_ =	shalt  }
0x49: {  	_ =	shalt  }
0x4a: {  	_ =	shalt  }
0x4b: {  	_ =	shalt  }
0x4c: {  	_ =	shalt  }
0x4d: {  	_ =	shalt  }
0x4e: {  	_ =	shalt  }
0x4f: {  	_ =	shalt  }
0x50: {  	_ =	shalt  }
0x51: {  	_ =	shalt  }
0x52: {  	_ =	shalt  }
0x53: {  	_ =	shalt  }
0x54: {  	_ =	shalt  }
0x55: {  	_ =	shalt  }
0x56: {  	_ =	shalt  }
0x57: {  	_ =	shalt  }
0x58: {  	_ =	shalt  }
0x59: {  	_ =	shalt  }
0x5a: {  	_ =	shalt  }
0x5b: {  	_ =	shalt  }
0x5c: {  	_ =	shalt  }
0x5d: {  	_ =	shalt  }
0x5e: {  	_ =	shalt  }
0x5f: {  	_ =	shalt  }
0x60: {  	_ =	shalt  }
0x61: {  	_ =	shalt  }
0x62: {  	_ =	shalt  }
0x63: {  	_ =	shalt  }
0x64: {  	_ =	shalt  }
0x65: {  	_ =	shalt  }
0x66: {  	_ =	shalt  }
0x67: {  	_ =	shalt  }
0x68: {  	_ =	shalt  }
0x69: {  	_ =	shalt  }
0x6a: {  	_ =	shalt  }
0x6b: {  	_ =	shalt  }
0x6c: {  	_ =	shalt  }
0x6d: {  	_ =	shalt  }
0x6e: {  	_ =	shalt  }
0x6f: {  	_ =	shalt  }
0x70: {  	_ =	shalt  }
0x71: {  	_ =	shalt  }
0x72: {  	_ =	shalt  }
0x73: {  	_ =	shalt  }
0x74: {  	_ =	shalt  }
0x75: {  	_ =	shalt  }
0x76: {  	_ =	shalt  }
0x77: {  	_ =	shalt  }
0x78: {  	_ =	shalt  }
0x79: {  	_ =	shalt  }
0x7a: {  	_ =	shalt  }
0x7b: {  	_ =	shalt  }
0x7c: {  	_ =	shalt  }
0x7d: {  	_ =	shalt  }
0x7e: {  	_ =	shalt  }
0x7f: {  	_ =	shalt  }
0x80: {  	_ =	shalt  }
0x81: {  	_ =	shalt  }
0x82: {  	_ =	shalt  }
0x83: {  	_ =	shalt  }
0x84: {  	_ =	shalt  }
0x85: {  	_ =	shalt  }
0x86: {  	_ =	shalt  }
0x87: {  	_ =	shalt  }
.Lfunc_end0:
.L_simem_size_0:
called_computation_lowered:
.L_overlay_start_0:
0x88: {  	s2 =	sld [smem:$0x3FD9]  }
0x89: {  	s3 =	sld [smem:$0x3FFE];
	_ =	sdelay $0x1  }
0x8a: {  	s1 =	srdreg.scid  }
0x8b: {  	s0 =	sand.u32 $0x1, s1  }
0x8c: {  	s16 =	sshll.u32 s0, $0xA;
	s2 =	sadd.s32 s3, s2  }
0x8d: {  	s2 =	sadd.s32 s2, s16  }
0x8e: {  	[smem:$0x3FB4] =	sst s2  }
0x8f: {  	_ = 	snop  }
0x90: {  	(tm) =	ssettm $0x1  }
0x91: {  	s17 =	sld [smem:$0x3FFB];
	_ =	sdelay $0x3  }
0x92: {  	_ =	strace s17  }
0x93: {  	s2 =	sld [smem:$0x3FFC];
	_ =	sdelay $0x3  }
0x94: {  	_ =	strace s2  }
0x95: {  	s2 =	sld [smem:$0x3FFD];
	_ =	sdelay $0x3  }
0x96: {  	_ =	strace s2  }
0x97: {  	_ =	strace $0x8FFFFFFF  }
0x98: {  	s18 =	sld [smem:$0x3FDB];
	_ =	sdelay $0x1  }
0x99: {  	s19 =	simm.s32 $_scs_section_size  }
0x9a: {  	s4 =	simm.s32 $_size__tile_overlayer_lowered;
	s5 =	simm.s32 $_tile_overlayer_lowered  }
0x9b: {  	s22 =	simm.s32 $0x1BFF;
	s21 =	sshll.u32 s5, $0x1;
	s2 =	sadd.s32 s19, s18  }
0x9c: {  	s6 =	simm.s32 $0x0;
	s20 =	sshll.u32 s4, $0x1;
	s4 =	sadd.s32 s21, s2  }
0x9d: {  	[timem:s6], [sflag:s22] =	dma.local [hbm:s4], s20  }
0x9e: {  	_ =	swait.ge [sflag:s22], s20  }
0x9f: {  	s3 =	ssub.s32 $0x0, s20;
	[sflag:s22] =	ssyncset.done $0x0  }
0xa0: {  	[sflag:s22] =	ssyncadd.s32 s3;
	_ =	sdelay $0x1  }
0xa1: {  	s23 =	simm.s32 $0x1B8B  }
0xa2: {  	_ =	swait.ge [sflag:s23], $0x1  }
0xa3: {  	[sflag:s23] =	ssyncset.done $0x0  }
0xa4: {  	s25 =	simm.s32 $0x1B8E;
	s24 =	sld [smem:$0x3FFE];
	[sflag:s23] =	ssyncadd.s32 $0xFFFFFFFF  }
0xa5: {  	s26 =	simm.s32 $execute0_lowered;
	[smem:$0x3FD2] =	sst s25  }
0xa6: {  	s4 =	sshll.u32 s26, $0x1;
	_ =	strace $0x80000046;
	[dreg:$0x1] =	wrdreg $0xFFFFFFFF  }
0xa7: {  	s28 =	simm.s32 $_size_execute0_lowered;
	s2 =	sadd.s32 s2, s4;
	[dreg:$0x0] =	wrdreg $0x0  }
0xa8: {  	s4 =	sshll.u32 s28, $0x1;
	[dreg:$0x2] =	wrdreg s2  }
0xa9: {  	[dreg:$0x3] =	wrdreg s4  }
0xaa: {  	[dreg:$0x4] =	wrdreg $0xC0  }
0xab: {  	_ =	task [dreg:s6], $0x5FFFF  }
0xac: {  	[dreg:$0x1] =	wrdreg $0xFFFFFFFF  }
0xad: {  	[dreg:$0x0] =	wrdreg $0x60  }
0xae: {  	[dreg:$0x2] =	wrdreg s24  }
0xaf: {  	[dreg:$0x3] =	wrdreg $0x9  }
0xb0: {  	_ =	task.clear_ibuf [dreg:s6], $0x4FFFF;
	_ =	strace $0x90000046  }
0xb1: {  	s29 =	simm.s32 $0x9;
	_ =	strace $0x80000048  }
0xb2: {  	_ =	swait.ge [sflag:s29], $0x1  }
0xb3: {  	[sflag:s29] =	ssyncadd.s32 $0xFFFFFFFF  }
0xb4: {  	_ =	strace $0x90000048  }
0xb5: {  	_ =	sfence  }
0xb6: {  	s30 =	sld [smem:$0x0];
	_ =	sdelay $0x2  }
0xb7: {  	s31 =	sshll.u32 s1, $0xD;
	s1 =	sshrl.u32 s1, $0x2  }
0xb8: {  	s3 =	sand.u32 $0x4000, s31;
	s1 =	sadd.s32 s1, s30  }
0xb9: {  	s0 =	sor.u32 s3, s0;
	s1 =	sshll.u32 s1, $0x11  }
0xba: {  	s0 =	sor.u32 s1, s0  }
0xbb: {  	s0 =	sadd.s32 $0x8F2B, s0  }
0xbc: {  	[sflag:s0] =	ssyncadd.remote.s32 $0x1  }
0xbd: {  	_ =	sfence.sel $0xFFFF  }
0xbe: {  	[dreg:$0x0] =	wrdreg $0xFFFFFFFF;
	(pc) =	sbr.abs _section_cstart, $3  }
0xbf: {  	[dreg:$0x1] =	wrdreg $0xFFFFFFFF  }
0xc0: {  	_ =	task.clear_ibuf [dreg:s6], $0x2FFFF;
	_ =	strace $0x9FFFFFFF  }
0xc1: {  	(tm) =	ssettm $0x7FFFFFFF  }
tec
execute0_lowered:
.L_overlay_start_1:
0x0: {  	(tag) =	ssettag $0x1  }
0x1: {  	s1 =	srdreg.scid  }
0x2: {  	s0 =	stileid.u32;
	s5 =	rddreg [dreg:$0x0];
	s2 =	simm.s32 $0x0  }
0x3: {  	s12 =	simm.s32 $0x2;
	s13 =	simm.s32 $0x80;
	s14 =	simm.s32 $0x5000  }
0x4: {  	s15 =	simm.s32 $0x9000;
	s6 =	sand.u32 $0x1, s1;
	s1 =	rddreg [dreg:$0x1]  }
0x5: {  	s16 =	simm.s32 $0x0;
	s3 =	sshll.u32 s0, $0x1;
	[smem:$0x7FF] =	sst s2  }
0x6: {  	s4 =	sadd.s32 $0x41400, s5;
	s8 =	smul.u32 $0x50000, s0;
	s3 =	sor.u32 s6, s3  }
0x7: {  	_ =	strace $0x80000047;
	s9 =	ssub.s32 $0x2, s6;
	s7 =	smul.u32 $0x2800, s3  }
0x8: {  	s11 =	smul.u32 $0x28000, s6;
	s3 =	sadd.s32 $0x19400, s5;
	s10 =	sshrl.u32 s9, $0x1  }
0x9: {  	s8 =	sadd.s32 s8, s5;
	s9 =	ssub.s32 s9, s10;
	s7 =	sshrl.u32 s7, $0x3  }
0xa: {  	s31 =	sadd.s32 s11, s8;
	s10 =	simm.s32 $0x1;
	s7 =	sadd.s32 s7, s5  }
0xb: {  	s11 =	simm.s32 $0x2800;
	s8 =	sadd.s32 $0x91400, s31;
	s5 =	sadd.s32 $0xF400, s7  }
0xc: {  	s6 =	sadd.s32 $0x5400, s7;
	s7 =	smax.u32 s9, $0x1;
	s9 =	sadd.s32 $0x591400, s31  }
.LBB2_1:
0xd: {  	[tilespmem:s2], [sflag:$0x1] =	stream.linear.gather [hbm4b:s5+s2], $0x2800, $0x38;
	[tilespmem:$0xD000] =	vst v63  }
0xe: {  	_ =	swait.ge [sflag:s10], $0x2800  }
0xf: {  	[sflag:s10] =	ssyncset.done $0x0  }
0x10: {  	[sflag:s10] =	ssyncadd.s32 $0xFFFFD800  }
0x11: {  	[tilespmem:s11], [sflag:$0x2] =	stream.linear.gather [hbm4b:s6+s2], $0x2800, $0x38;
	[tilespmem:$0xD000] =	vst v63  }
0x12: {  	_ =	swait.ge [sflag:s12], $0x2800  }
0x13: {  	[sflag:s12] =	ssyncset.done $0x0  }
0x14: {  	s17 =	simm.s32 $0x0;
	[sflag:s12] =	ssyncadd.s32 $0xFFFFD800  }
0x15: {  	[tilespmem:s14], [sflag:$0x1] =	stream.indirect.gather [hbm4b:s3+s13], $0x80, s17, s13, $0xb8;
	[tilespmem:$0xD000] =	vst v63  }
0x16: {  	s31 =	simm.s32 $0x2800  }
0x17: {  	[tilespmem:s15], [sflag:$0x2] =	stream.indirect.gather [hbm4b:s4+s13], $0x80, s31, s13, $0xb8;
	[tilespmem:$0xD000] =	vst v63  }
0x18: {  	_ =	swait.ge [sflag:s10], $0x4000  }
0x19: {  	[sflag:s10] =	ssyncset.done $0x0  }
0x1a: {  	[sflag:s10] =	ssyncadd.s32 $0xFFFFC000  }
0x1b: {  	[hbm4b:s8+s2] =	stream.linear.scatter [tilespmem:s14], [sflag:$0x1], $0x4000, $0x38;
	[tilespmem:$0xD000] =	vst v63  }
0x1c: {  	_ =	swait.ge [sflag:s10], $0x4000  }
0x1d: {  	[sflag:s10] =	ssyncset.done $0x0  }
0x1e: {  	[sflag:s10] =	ssyncadd.s32 $0xFFFFC000  }
0x1f: {  	_ =	swait.ge [sflag:s12], $0x4000  }
0x20: {  	[sflag:s12] =	ssyncset.done $0x0  }
0x21: {  	[sflag:s12] =	ssyncadd.s32 $0xFFFFC000  }
0x22: {  	[hbm4b:s9+s2] =	stream.linear.scatter [tilespmem:s15], [sflag:$0x2], $0x4000, $0x38;
	[tilespmem:$0xD000] =	vst v63  }
0x23: {  	s19 =	simm.s32 $0x200;
	s20 =	simm.s32 $0x400;
	_ =	swait.ge [sflag:s12], $0x4000  }
0x24: {  	s18 =	sadd.s32 $0x800, s8;
	s17 =	sadd.s32 $0x800, s9;
	[sflag:s12] =	ssyncset.done $0x0  }
.LBB2_2:
0x25: {  	s21 =	sshra.s32 s19, $0x2  }
0x26: {  	[sflag:s12] =	ssyncadd.s32 $0xFFFFC000;
	s19 =	smov.u32 s20;
	s22 =	sadd.s32 $0x200, s20  }
0x27: {  	[tilespmem:s14], [sflag:$0x1] =	stream.indirect.gather [hbm4b:s3+s13], $0x80, s21, s13, $0xb8;
	[tilespmem:$0xD000] =	vst v63  }
0x28: {  	p0 =	sne.s32 s20, $0x9E00;
	s20 =	sadd.s32 $0x2800, s21  }
0x29: {  	[tilespmem:s15], [sflag:$0x2] =	stream.indirect.gather [hbm4b:s4+s13], $0x80, s20, s13, $0xb8;
	[tilespmem:$0xD000] =	vst v63  }
0x2a: {  	_ =	swait.ge [sflag:s10], $0x4000  }
0x2b: {  	[sflag:s10] =	ssyncset.done $0x0  }
0x2c: {  	[sflag:s10] =	ssyncadd.s32 $0xFFFFC000  }
0x2d: {  	[hbm4b:s18+s2] =	stream.linear.scatter [tilespmem:s14], [sflag:$0x1], $0x4000, $0x38;
	[tilespmem:$0xD000] =	vst v63  }
0x2e: {  	_ =	swait.ge [sflag:s10], $0x4000  }
0x2f: {  	[sflag:s10] =	ssyncset.done $0x0  }
0x30: {  	[sflag:s10] =	ssyncadd.s32 $0xFFFFC000  }
0x31: {  	_ =	swait.ge [sflag:s12], $0x4000  }
.Ltmp0:
0x32: {  	[sflag:s12] =	ssyncset.done $0x0;
	(pc) =	sbr.rel @p0 .LBB2_2-.Ltmp0, $4  }
0x33: {  	[sflag:s12] =	ssyncadd.s32 $0xFFFFC000  }
0x34: {  	[hbm4b:s17+s2] =	stream.linear.scatter [tilespmem:s15], [sflag:$0x2], $0x4000, $0x38;
	[tilespmem:$0xD000] =	vst v63  }
0x35: {  	s20 =	smov.u32 s22;
	_ =	swait.ge [sflag:s12], $0x4000  }
0x36: {  	s18 =	sadd.s32 $0x800, s18;
	s17 =	sadd.s32 $0x800, s17;
	[sflag:s12] =	ssyncset.done $0x0  }
0x37: {  	s19 =	sshra.s32 s19, $0x2;
	[sflag:s12] =	ssyncadd.s32 $0xFFFFC000  }
0x38: {  	[tilespmem:s14], [sflag:$0x1] =	stream.indirect.gather [hbm4b:s3+s13], $0x80, s19, s13, $0xb8;
	[tilespmem:$0xD000] =	vst v63  }
0x39: {  	s19 =	sadd.s32 $0x2800, s19  }
0x3a: {  	[tilespmem:s15], [sflag:$0x2] =	stream.indirect.gather [hbm4b:s4+s13], $0x80, s19, s13, $0xb8;
	[tilespmem:$0xD000] =	vst v63  }
0x3b: {  	_ =	swait.ge [sflag:s10], $0x4000  }
0x3c: {  	[sflag:s10] =	ssyncset.done $0x0  }
0x3d: {  	[sflag:s10] =	ssyncadd.s32 $0xFFFFC000  }
0x3e: {  	[hbm4b:s18+s2] =	stream.linear.scatter [tilespmem:s14], [sflag:$0x1], $0x4000, $0x38;
	[tilespmem:$0xD000] =	vst v63  }
0x3f: {  	_ =	swait.ge [sflag:s10], $0x4000  }
0x40: {  	[sflag:s10] =	ssyncset.done $0x0  }
0x41: {  	[sflag:s10] =	ssyncadd.s32 $0xFFFFC000  }
0x42: {  	s16 =	sadd.s32 $0x1, s16;
	_ =	swait.ge [sflag:s12], $0x4000  }
0x43: {  	p0 =	sne.s32 s16, s7;
	[sflag:s12] =	ssyncset.done $0x0  }
.Ltmp1:
0x44: {  	[sflag:s12] =	ssyncadd.s32 $0xFFFFC000;
	(pc) =	sbr.rel @p0 .LBB2_1-.Ltmp1, $4  }
0x45: {  	[hbm4b:s17+s2] =	stream.linear.scatter [tilespmem:s15], [sflag:$0x2], $0x4000, $0x38;
	[tilespmem:$0xD000] =	vst v63  }
0x46: {  	_ =	swait.ge [sflag:s12], $0x4000  }
0x47: {  	[sflag:s12] =	ssyncset.done $0x0  }
0x48: {  	[sflag:s12] =	ssyncadd.s32 $0xFFFFC000  }
0x49: {  	_ =	sfence.sel $0x180000  }
0x4a: {  	[bflag:$0x0] =	sbarrier.arrive $0xFFFF  }
0x4b: {  	p0 =	sne.s32 s0, $0x0;
	_ =	strace $0x90000047  }
0x4c: {  	s0 =	sadd.s32 @!p0 $0x100000, s1;
	[bflag:$0x2] =	sbarrier.arrive $0xFFFF  }
0x4d: {  	[sflag:s0] =	ssyncadd.tile.s32 @!p0 $0x1;
	_ =	shalt  }
.Lfunc_end2:
_tile_overlayer_lowered:
.L_overlay_start_2:
0x4e: {  	(tag) =	ssettag $0x2  }
0x4f: {  	s0 =	rddreg [dreg:$0x0];
	s2 =	stileid.u32  }
0x50: {  	s1 =	rddreg [dreg:$0x1];
	p0 =	sne.s32 s2, $0x0  }
0x51: {  	s3 =	rddreg [dreg:$0x2];
	[bflag:$0x3] =	sbarrier.arrive $0xFFFF;
	s2 =	simm.s32 @!p0 $0x1C03  }
0x52: {  	[timem:s3], [sflag:s2] =	dma.local @!p0 [hbm:s0], s1  }
0x53: {  	s0 =	simm.s32 @!p0 $0x3  }
0x54: {  	_ =	swait.ge @!p0 [sflag:s0], s1  }
0x55: {  	s1 =	ssub.s32 @!p0 $0x0, s1;
	[sflag:s0] =	ssyncset.done @!p0 $0x0  }
0x56: {  	[sflag:s0] =	ssyncadd.s32 @!p0 s1  }
0x57: {  	[bflag:$0x3] =	sbarrier.arrive $0xFFFF  }
0x58: {  	_ =	shalt  }

</sc_bundles>
